<compile_context>
chip_gen: v7x
topology: tpu7x:2x2x1
jax: 0.10.2.dev20260603
libtpu: 0.0.44.dev20260713+nightly
codegen_flags: <defaults>
</compile_context>

<pallas_src>
import functools

import jax
import jax.numpy as jnp
from jax import lax
from jax.experimental import pallas as pl
from jax.experimental.pallas import tpu as pltpu
from jax.experimental.pallas import tpu_sc as plsc

N = 10000
D = 128
E = 320000
NC = 2
NS = 16
NW = NC * NS
NPAD = 10240
RZ = NPAD // NS
CH = 128
KA = E // CH
K = KA // NW
XT = KA - K * NW
NB = 2
NI = 2
ZR = 64
RB = 1024


@functools.cache
def _mesh():
    return plsc.VectorSubcoreMesh(
        core_axis_name="c", subcore_axis_name="s", num_cores=NC, num_subcores=NS
    )


def _deg_body(ei_hbm, out_hbm, deg_sh, didx, ones, zbuf, isem, asem):
    c = lax.axis_index("c")
    s = lax.axis_index("s")
    t = c * NS + s
    base = t * K * CH

    @pl.loop(0, K)
    def _fire_idx(j):
        pltpu.async_copy(
            ei_hbm.at[pl.ds(0, 2), pl.ds(base + j * CH, CH)], didx.at[j], isem
        )

    @pl.loop(0, CH // 16)
    def _fill_ones(i):
        ones[pl.ds(i * 16, 16)] = jnp.full((16,), 1.0, jnp.float32)

    @pl.loop(0, RZ // 16)
    def _fill_zeros(i):
        zbuf[pl.ds(i * 16, 16)] = jnp.zeros((16,), jnp.float32)

    pltpu.sync_copy(zbuf, deg_sh.at[pl.ds(s * RZ, RZ)])

    @pl.loop(0, K)
    def _drain_idx(j):
        pltpu.make_async_copy(
            ei_hbm.at[pl.ds(0, 2), pl.ds(base, CH)], didx.at[0], isem
        ).wait()

    plsc.subcore_barrier()

    @pl.loop(0, K)
    def _fire_hist(j):
        pltpu.async_copy(ones, deg_sh.at[didx.at[j, 1]], asem, add=True)

    @pl.loop(0, K)
    def _drain_hist(j):
        pltpu.make_async_copy(ones, deg_sh.at[didx.at[0, 1]], asem).wait()

    @pl.when(t < XT)
    def _extra():
        pltpu.async_copy(
            ei_hbm.at[pl.ds(0, 2), pl.ds((K * NW + t) * CH, CH)], didx.at[0], isem
        ).wait()
        pltpu.sync_copy(ones, deg_sh.at[didx.at[0, 1]], add=True)

    plsc.subcore_barrier()
    pltpu.sync_copy(deg_sh.at[pl.ds(s * RZ, RZ)], out_hbm.at[c, pl.ds(s * RZ, RZ)])


@functools.cache
def _sc_degree():
    return pl.kernel(
        _deg_body,
        out_type=jax.ShapeDtypeStruct((NC, NPAD), jnp.float32),
        mesh=_mesh(),
        scratch_types=[
            pltpu.MemorySpace.VMEM_SHARED((NPAD,), jnp.float32),
            pltpu.VMEM((K, 2, CH), jnp.int32),
            pltpu.VMEM((CH,), jnp.float32),
            pltpu.VMEM((RZ,), jnp.float32),
            pltpu.SemaphoreType.DMA,
            pltpu.SemaphoreType.DMA,
        ],
    )


def _scat_body(g_hbm, ei_hbm, out_hbm, acc_sh, sib, dib, rows, zbuf,
               ssem0, ssem1, dsem0, dsem1, gsem0, gsem1):
    ssems = (ssem0, ssem1)
    dsems = (dsem0, dsem1)
    gsems = (gsem0, gsem1)
    c = lax.axis_index("c")
    s = lax.axis_index("s")
    t = c * NS + s
    base = t * K * CH
    row0 = s * RZ

    def sidx_load(j, q):
        pltpu.async_copy(
            ei_hbm.at[pl.ds(0, 2), pl.ds(base + j * CH, CH)], sib.at[q], ssems[q]
        )

    def didx_load(j, q):
        pltpu.async_copy(
            ei_hbm.at[pl.ds(0, 2), pl.ds(base + j * CH, CH)], dib.at[q], dsems[q]
        )

    def sidx_wait(q):
        pltpu.make_async_copy(
            ei_hbm.at[pl.ds(0, 2), pl.ds(base, CH)], sib.at[q], ssems[q]
        ).wait()

    def didx_wait(q):
        pltpu.make_async_copy(
            ei_hbm.at[pl.ds(0, 2), pl.ds(base, CH)], dib.at[q], dsems[q]
        ).wait()

    def gather_start(q, bq):
        pltpu.async_copy(g_hbm.at[sib.at[q, 0]], rows.at[bq], gsems[bq])

    def gather_wait(bq):
        pltpu.make_async_copy(g_hbm.at[sib.at[0, 0]], rows.at[bq], gsems[bq]).wait()

    for q in range(NI):
        sidx_load(q, q)
        didx_load(q, q)

    @pl.loop(0, ZR)
    def _zr(r):
        @pl.loop(0, D // 16)
        def _zc(i):
            zbuf[r, pl.ds(i * 16, 16)] = jnp.zeros((16,), jnp.float32)

    for bq in range(NB):
        sidx_wait(bq)
        gather_start(bq, bq)

    for cc in range(RZ // ZR):
        pltpu.sync_copy(zbuf, acc_sh.at[pl.ds(row0 + cc * ZR, ZR)])
    plsc.subcore_barrier()

    @pl.loop(0, K // NI)
    def _ring(gi):
        for jj in range(NI):
            j = gi * NI + jj
            q = jj
            gather_wait(q)

            @pl.when(j + NI < K)
            def _refill_s():
                sidx_load(j + NI, q)

            didx_wait(q)
            pltpu.sync_copy(rows.at[q], acc_sh.at[dib.at[q, 1]], add=True)

            @pl.when(j + NI < K)
            def _refill_d():
                didx_load(j + NI, q)

            @pl.when(j + NB < K)
            def _next():
                sidx_wait(q)
                gather_start(q, q)

    @pl.when(t < XT)
    def _extra():
        pltpu.async_copy(
            ei_hbm.at[pl.ds(0, 2), pl.ds((K * NW + t) * CH, CH)], sib.at[0], ssem0
        ).wait()
        pltpu.async_copy(g_hbm.at[sib.at[0, 0]], rows.at[0], gsem0).wait()
        pltpu.sync_copy(rows.at[0], acc_sh.at[sib.at[0, 1]], add=True)

    plsc.subcore_barrier()
    for cc in range(RZ // CH):
        pltpu.sync_copy(
            acc_sh.at[pl.ds(row0 + cc * CH, CH)],
            out_hbm.at[c, pl.ds(row0 + cc * CH, CH)],
        )


@functools.cache
def _sc_scatter():
    return pl.kernel(
        _scat_body,
        out_type=jax.ShapeDtypeStruct((NC, NPAD, D), jnp.float32),
        mesh=_mesh(),
        scratch_types=[
            pltpu.MemorySpace.VMEM_SHARED((NPAD, D), jnp.float32),
            pltpu.VMEM((NI, 2, CH), jnp.int32),
            pltpu.VMEM((NI, 2, CH), jnp.int32),
            pltpu.VMEM((NB, CH, D), jnp.float32),
            pltpu.VMEM((ZR, D), jnp.float32),
        ] + [pltpu.SemaphoreType.DMA] * (2 * NI + NB),
    )


def _scale_body(x_ref, w_ref, d_ref, g_ref):
    deg = d_ref[0, :] + d_ref[1, :] + 1.0
    dinv = lax.rsqrt(deg)
    h = jnp.dot(x_ref[...], w_ref[...], preferred_element_type=jnp.float32)
    g_ref[...] = h * dinv[:, None]


def _tc_scale(x, W, deg2):
    return pl.pallas_call(
        _scale_body,
        grid=(pl.cdiv(N, RB),),
        in_specs=[
            pl.BlockSpec((RB, D), lambda i: (i, 0)),
            pl.BlockSpec((D, D), lambda i: (0, 0)),
            pl.BlockSpec((NC, RB), lambda i: (0, i)),
        ],
        out_specs=pl.BlockSpec((RB, D), lambda i: (i, 0)),
        out_shape=jax.ShapeDtypeStruct((N, D), jnp.float32),
    )(x, W, deg2)


def _final_body(x_ref, g_ref, p_ref, d_ref, b_ref, o_ref):
    deg = d_ref[0, :] + d_ref[1, :] + 1.0
    dinv = lax.rsqrt(deg)
    sacc = p_ref[0] + p_ref[1] + g_ref[...]
    conv = sacc * dinv[:, None] + b_ref[...][None, :]
    o_ref[...] = x_ref[...] + jnp.maximum(conv, 0.0)


def _tc_final(x, g, parts, deg2, b):
    return pl.pallas_call(
        _final_body,
        grid=(pl.cdiv(N, RB),),
        in_specs=[
            pl.BlockSpec((RB, D), lambda i: (i, 0)),
            pl.BlockSpec((RB, D), lambda i: (i, 0)),
            pl.BlockSpec((NC, RB, D), lambda i: (0, i, 0)),
            pl.BlockSpec((NC, RB), lambda i: (0, i)),
            pl.BlockSpec((D,), lambda i: (0,)),
        ],
        out_specs=pl.BlockSpec((RB, D), lambda i: (i, 0)),
        out_shape=jax.ShapeDtypeStruct((N, D), jnp.float32),
    )(x, g, parts, deg2, b)


@jax.jit
def kernel(x, edge_index, W, b):
    ei = edge_index.astype(jnp.int32)
    deg2 = _sc_degree()(ei)
    g = _tc_scale(x, W, deg2)
    parts = _sc_scatter()(g, ei)
    return _tc_final(x, g, parts, deg2, b)

# --- scband reference (transcript-rebuilt; emitter-appended) ---
"""Pipeline reference for scband-gcn-31138512896565 (READ-ONLY COPY).

The authoritative reference and input builder live on the scoring server;
editing this copy changes nothing except your own understanding.
"""

import jax, jax.numpy as jnp
import numpy as np

N_NODES = 10000
N_EDGES = 320000
D_FEAT = 128


def setup_inputs(seed: int = 0) -> dict:
    key = jax.random.key(seed)
    k1, k2, k3 = jax.random.split(key, 3)
    x = jax.random.normal(k1, (N_NODES, D_FEAT), dtype=jnp.float32)
    edge_index = jax.random.randint(k2, (2, N_EDGES), 0, N_NODES, dtype=jnp.int64)
    # GCNConv linear weight (glorot) and bias (zeros init in PyG)
    limit = float(np.sqrt(6.0 / (D_FEAT + D_FEAT)))
    W = jax.random.uniform(k3, (D_FEAT, D_FEAT), minval=-limit, maxval=limit, dtype=jnp.float32)
    b = jnp.zeros((D_FEAT,), dtype=jnp.float32)
    return {"x": x, "edge_index": edge_index, "W": W, "b": b}


def _gcn_conv(x, edge_index, W, b):
    N = x.shape[0]
    src = edge_index[0]
    dst = edge_index[1]
    # add self loops
    loop = jnp.arange(N, dtype=src.dtype)
    src = jnp.concatenate([src, loop])
    dst = jnp.concatenate([dst, loop])
    ew = jnp.ones(src.shape[0], dtype=x.dtype)
    # symmetric normalization: deg computed at dst
    deg = jnp.zeros((N,), dtype=x.dtype).at[dst].add(ew)
    deg_inv_sqrt = jnp.where(deg > 0, deg ** -0.5, 0.0)
    norm = deg_inv_sqrt[src] * deg_inv_sqrt[dst]
    h = x @ W
    msg = h[src] * norm[:, None]
    out = jnp.zeros((N, h.shape[1]), dtype=x.dtype).at[dst].add(msg)
    return out + b


def reference(x, edge_index, W, b):
    return x + jax.nn.relu(_gcn_conv(x, edge_index, W, b))

if __name__ == "__main__":
    import jax
    _d = setup_inputs()
    print(jax.jit(kernel)(*tuple(_d.values())))

</pallas_src>

<mosaic_0001>
#map = affine_map<(d0, d1) -> (0, 0)>
module attributes {stable_mosaic.version = 14 : i64} {
  func.func @_deg_body(%arg0: i32, %arg1: i32, %arg2: memref<2x320000xi32, #tpu.memory_space<hbm>>, %arg3: memref<2x10240xf32, #tpu.memory_space<hbm>>, %arg4: memref<10240xf32, #tpu.memory_space<vmem_shared>>, %arg5: memref<78x2x128xi32, #tpu.memory_space<vmem>>, %arg6: memref<128xf32, #tpu.memory_space<vmem>>, %arg7: memref<640xf32, #tpu.memory_space<vmem>>, %arg8: memref<!tpu.dma_semaphore, #tpu.memory_space<semaphore_mem>>, %arg9: memref<!tpu.dma_semaphore, #tpu.memory_space<semaphore_mem>>) attributes {dimension_semantics = [#tpu.dimension_semantics<core_parallel>, #tpu.dimension_semantics<subcore_parallel>], iteration_bounds = array<i64: 2, 16>, scalar_prefetch = 0 : i64, scratch_operands = 6 : i64, tpu.core_type = #tpu.core_type<sc_vector_subcore>, window_params = [{transform_indices = #map}, {transform_indices = #map}]} {
    %mul3A = arith.constant 16 : i32
    %mul3A_0 = arith.muli %arg0, %mul3A : i32
    %add3A = arith.addi %mul3A_0, %arg1 : i32
    %mul3A_1 = arith.constant 78 : i32
    %mul3A_2 = arith.muli %add3A, %mul3A_1 : i32
    %mul3A_3 = arith.constant 128 : i32
    %mul3A_4 = arith.muli %mul3A_2, %mul3A_3 : i32
    %scan3A = arith.constant 0 : i32
    %scan3A_5 = arith.constant 78 : i32
    %scan3A_6 = arith.addi %scan3A, %scan3A_5 : i32
    %scan3A_7 = arith.constant 1 : i32
    scf.for %scan3A_43 = %scan3A to %scan3A_6 step %scan3A_7  : i32 {
      %mul3A_44 = arith.constant 1 : i32
      %mul3A_45 = arith.muli %scan3A_43, %mul3A_44 : i32
      %add3A_46 = arith.constant 0 : i32
      %add3A_47 = arith.addi %add3A_46, %mul3A_45 : i32
      %mul3A_48 = arith.constant 128 : i32
      %mul3A_49 = arith.muli %add3A_47, %mul3A_48 : i32
      %add3A_50 = arith.addi %mul3A_4, %mul3A_49 : i32
      %dma_start3A = arith.constant 0 : i32
      %dma_start3A_51 = arith.constant 0 : i32
      %dma_start3A_52 = tpu.memref_slice %arg5[%add3A_47, %dma_start3A, %dma_start3A_51] : memref<78x2x128xi32, #tpu.memory_space<vmem>> -> memref<1x2x128xi32, #tpu.memory_space<vmem>>
      %dma_start3A_53 = tpu.memref_squeeze %dma_start3A_52 : memref<1x2x128xi32, #tpu.memory_space<vmem>> -> memref<2x128xi32, #tpu.memory_space<vmem>>
      %dma_start3A_54 = arith.constant 0 : i32
      %dma_start3A_55 = tpu.memref_slice %arg2[%dma_start3A_54, %add3A_50] : memref<2x320000xi32, #tpu.memory_space<hbm>> -> memref<2x128xi32, #tpu.memory_space<hbm>>
      %dma_start3A_56 = arith.constant 0 : i32
      %dma_start3A_57 = arith.constant 0 : i32
      %dma_start3A_58 = tpu.memref_slice %arg5[%add3A_47, %dma_start3A_56, %dma_start3A_57] : memref<78x2x128xi32, #tpu.memory_space<vmem>> -> memref<1x2x128xi32, #tpu.memory_space<vmem>>
      %dma_start3A_59 = tpu.memref_squeeze %dma_start3A_58 : memref<1x2x128xi32, #tpu.memory_space<vmem>> -> memref<2x128xi32, #tpu.memory_space<vmem>>
      %dma_start3A_60 = arith.constant 0 : i32
      %dma_start3A_61 = tpu.memref_slice %arg2[%dma_start3A_60, %add3A_50] : memref<2x320000xi32, #tpu.memory_space<hbm>> -> memref<2x128xi32, #tpu.memory_space<hbm>>
      tpu.enqueue_dma source(%dma_start3A_61 : memref<2x128xi32, #tpu.memory_space<hbm>>) target(%dma_start3A_59 : memref<2x128xi32, #tpu.memory_space<vmem>>) target_semaphore(%arg8 : memref<!tpu.dma_semaphore, #tpu.memory_space<semaphore_mem>>)
    }
    %scan3A_8 = arith.constant 78 : i32
    %scan3A_9 = arith.constant 0 : i32
    %scan3A_10 = arith.constant 8 : i32
    %scan3A_11 = arith.addi %scan3A_9, %scan3A_10 : i32
    %scan3A_12 = arith.constant 1 : i32
    scf.for %scan3A_43 = %scan3A_9 to %scan3A_11 step %scan3A_12  : i32 {
      %mul3A_44 = arith.constant 1 : i32
      %mul3A_45 = arith.muli %scan3A_43, %mul3A_44 : i32
      %add3A_46 = arith.constant 0 : i32
      %add3A_47 = arith.addi %add3A_46, %mul3A_45 : i32
      %broadcast_in_dim3A = arith.constant 1.000000e+00 : f32
      %broadcast_in_dim3A_48 = vector.broadcast %broadcast_in_dim3A : f32 to vector<16xf32>
      %mul3A_49 = arith.constant 16 : i32
      %mul3A_50 = arith.muli %add3A_47, %mul3A_49 : i32
      %swap3A = arith.index_cast %mul3A_50 : i32 to index
      %swap3A_51 = tpu.vector_load %arg6[%swap3A] {strides = array<i32>} : memref<128xf32, #tpu.memory_space<vmem>>, vector<16xf32>,
      %swap3A_52 = vector.shape_cast %swap3A_51 : vector<16xf32> to vector<16xf32>
      %swap3A_53 = vector.shape_cast %broadcast_in_dim3A_48 : vector<16xf32> to vector<16xf32>
      tpu.vector_store %arg6[%swap3A], %swap3A_53 {strides = array<i32>} : memref<128xf32, #tpu.memory_space<vmem>>, vector<16xf32>,
    }
    %scan3A_13 = arith.constant 8 : i32
    %scan3A_14 = arith.constant 0 : i32
    %scan3A_15 = arith.constant 40 : i32
    %scan3A_16 = arith.addi %scan3A_14, %scan3A_15 : i32
    %scan3A_17 = arith.constant 1 : i32
    scf.for %scan3A_43 = %scan3A_14 to %scan3A_16 step %scan3A_17  : i32 {
      %mul3A_44 = arith.constant 1 : i32
      %mul3A_45 = arith.muli %scan3A_43, %mul3A_44 : i32
      %add3A_46 = arith.constant 0 : i32
      %add3A_47 = arith.addi %add3A_46, %mul3A_45 : i32
      %broadcast_in_dim3A = arith.constant 0.000000e+00 : f32
      %broadcast_in_dim3A_48 = vector.broadcast %broadcast_in_dim3A : f32 to vector<16xf32>
      %mul3A_49 = arith.constant 16 : i32
      %mul3A_50 = arith.muli %add3A_47, %mul3A_49 : i32
      %swap3A = arith.index_cast %mul3A_50 : i32 to index
      %swap3A_51 = tpu.vector_load %arg7[%swap3A] {strides = array<i32>} : memref<640xf32, #tpu.memory_space<vmem>>, vector<16xf32>,
      %swap3A_52 = vector.shape_cast %swap3A_51 : vector<16xf32> to vector<16xf32>
      %swap3A_53 = vector.shape_cast %broadcast_in_dim3A_48 : vector<16xf32> to vector<16xf32>
      tpu.vector_store %arg7[%swap3A], %swap3A_53 {strides = array<i32>} : memref<640xf32, #tpu.memory_space<vmem>>, vector<16xf32>,
    }
    %scan3A_18 = arith.constant 40 : i32
    %mul3A_19 = arith.constant 640 : i32
    %mul3A_20 = arith.muli %arg1, %mul3A_19 : i32
    "tpu.region"() ({
      %run_scoped3A = tpu.sem_alloc : memref<!tpu.dma_semaphore, #tpu.memory_space<semaphore_mem>>
      %dma_start3A = tpu.memref_slice %arg4[%mul3A_20] : memref<10240xf32, #tpu.memory_space<vmem_shared>> -> memref<640xf32, #tpu.memory_space<vmem_shared>>
      %dma_start3A_43 = tpu.memref_slice %arg4[%mul3A_20] : memref<10240xf32, #tpu.memory_space<vmem_shared>> -> memref<640xf32, #tpu.memory_space<vmem_shared>>
      tpu.enqueue_dma source(%arg7 : memref<640xf32, #tpu.memory_space<vmem>>) target(%dma_start3A_43 : memref<640xf32, #tpu.memory_space<vmem_shared>>) target_semaphore(%run_scoped3A : memref<!tpu.dma_semaphore, #tpu.memory_space<semaphore_mem>>)
      %dma_wait3A = tpu.memref_slice %arg4[%mul3A_20] : memref<10240xf32, #tpu.memory_space<vmem_shared>> -> memref<640xf32, #tpu.memory_space<vmem_shared>>
      %dma_wait3A_44 = tpu.memref_slice %arg4[%mul3A_20] : memref<10240xf32, #tpu.memory_space<vmem_shared>> -> memref<640xf32, #tpu.memory_space<vmem_shared>>
      tpu.wait_dma2 semaphore(%run_scoped3A : memref<!tpu.dma_semaphore, #tpu.memory_space<semaphore_mem>>) src(%arg7 : memref<640xf32, #tpu.memory_space<vmem>>) dst(%dma_wait3A_44 : memref<640xf32, #tpu.memory_space<vmem_shared>>)
      tpu.yield
    }) : () -> ()
    %scan3A_21 = arith.constant 0 : i32
    %scan3A_22 = arith.constant 78 : i32
    %scan3A_23 = arith.addi %scan3A_21, %scan3A_22 : i32
    %scan3A_24 = arith.constant 1 : i32
    scf.for %scan3A_43 = %scan3A_21 to %scan3A_23 step %scan3A_24  : i32 {
      %mul3A_44 = arith.constant 1 : i32
      %mul3A_45 = arith.muli %scan3A_43, %mul3A_44 : i32
      %add3A_46 = arith.constant 0 : i32
      %add3A_47 = arith.addi %add3A_46, %mul3A_45 : i32
      %dma_wait3A = arith.constant 0 : i32
      %dma_wait3A_48 = arith.constant 0 : i32
      %dma_wait3A_49 = arith.constant 0 : i32
      %dma_wait3A_50 = tpu.memref_slice %arg5[%dma_wait3A, %dma_wait3A_48, %dma_wait3A_49] : memref<78x2x128xi32, #tpu.memory_space<vmem>> -> memref<1x2x128xi32, #tpu.memory_space<vmem>>
      %dma_wait3A_51 = tpu.memref_squeeze %dma_wait3A_50 : memref<1x2x128xi32, #tpu.memory_space<vmem>> -> memref<2x128xi32, #tpu.memory_space<vmem>>
      %dma_wait3A_52 = arith.constant 0 : i32
      %dma_wait3A_53 = tpu.memref_slice %arg2[%dma_wait3A_52, %mul3A_4] : memref<2x320000xi32, #tpu.memory_space<hbm>> -> memref<2x128xi32, #tpu.memory_space<hbm>>
      %dma_wait3A_54 = arith.constant 0 : i32
      %dma_wait3A_55 = arith.constant 0 : i32
      %dma_wait3A_56 = tpu.memref_slice %arg5[%dma_wait3A, %dma_wait3A_54, %dma_wait3A_55] : memref<78x2x128xi32, #tpu.memory_space<vmem>> -> memref<1x2x128xi32, #tpu.memory_space<vmem>>
      %dma_wait3A_57 = tpu.memref_squeeze %dma_wait3A_56 : memref<1x2x128xi32, #tpu.memory_space<vmem>> -> memref<2x128xi32, #tpu.memory_space<vmem>>
      %dma_wait3A_58 = arith.constant 0 : i32
      %dma_wait3A_59 = tpu.memref_slice %arg2[%dma_wait3A_58, %mul3A_4] : memref<2x320000xi32, #tpu.memory_space<hbm>> -> memref<2x128xi32, #tpu.memory_space<hbm>>
      tpu.wait_dma2 semaphore(%arg8 : memref<!tpu.dma_semaphore, #tpu.memory_space<semaphore_mem>>) src(%dma_wait3A_59 : memref<2x128xi32, #tpu.memory_space<hbm>>) dst(%dma_wait3A_57 : memref<2x128xi32, #tpu.memory_space<vmem>>)
    }
    %scan3A_25 = arith.constant 78 : i32
    %barrier3A = arith.constant 0 : index
    tpu.barrier barrier_id(%barrier3A)
    %scan3A_26 = arith.constant 0 : i32
    %scan3A_27 = arith.constant 78 : i32
    %scan3A_28 = arith.addi %scan3A_26, %scan3A_27 : i32
    %scan3A_29 = arith.constant 1 : i32
    scf.for %scan3A_43 = %scan3A_26 to %scan3A_28 step %scan3A_29  : i32 {
      %mul3A_44 = arith.constant 1 : i32
      %mul3A_45 = arith.muli %scan3A_43, %mul3A_44 : i32
      %add3A_46 = arith.constant 0 : i32
      %add3A_47 = arith.addi %add3A_46, %mul3A_45 : i32
      %dma_start3A = arith.constant 1 : i32
      %dma_start3A_48 = arith.constant 0 : i32
      %dma_start3A_49 = tpu.memref_slice %arg5[%add3A_47, %dma_start3A, %dma_start3A_48] : memref<78x2x128xi32, #tpu.memory_space<vmem>> -> memref<1x1x128xi32, #tpu.memory_space<vmem>>
      %dma_start3A_50 = tpu.memref_squeeze %dma_start3A_49 : memref<1x1x128xi32, #tpu.memory_space<vmem>> -> memref<128xi32, #tpu.memory_space<vmem>>
      %dma_start3A_51 = arith.constant 0 : i32
      %dma_start3A_52 = tpu.memref_slice %arg4[%dma_start3A_51] : memref<10240xf32, #tpu.memory_space<vmem_shared>> -> memref<10240xf32, #tpu.memory_space<vmem_shared>>
      tpu.enqueue_indirect_dma source(%arg6 : memref<128xf32, #tpu.memory_space<vmem>>) target(%dma_start3A_52 : memref<10240xf32, #tpu.memory_space<vmem_shared>>) offsets(%dma_start3A_50 : memref<128xi32, #tpu.memory_space<vmem>>) semaphore(%arg9 : memref<!tpu.dma_semaphore, #tpu.memory_space<semaphore_mem>>) {add = true}
    }
    %scan3A_30 = arith.constant 78 : i32
    %scan3A_31 = arith.constant 0 : i32
    %scan3A_32 = arith.constant 78 : i32
    %scan3A_33 = arith.addi %scan3A_31, %scan3A_32 : i32
    %scan3A_34 = arith.constant 1 : i32
    scf.for %scan3A_43 = %scan3A_31 to %scan3A_33 step %scan3A_34  : i32 {
      %mul3A_44 = arith.constant 1 : i32
      %mul3A_45 = arith.muli %scan3A_43, %mul3A_44 : i32
      %add3A_46 = arith.constant 0 : i32
      %add3A_47 = arith.addi %add3A_46, %mul3A_45 : i32
      %dma_wait3A = arith.constant 0 : i32
      %dma_wait3A_48 = arith.constant 1 : i32
      %dma_wait3A_49 = arith.constant 0 : i32
      %dma_wait3A_50 = tpu.memref_slice %arg5[%dma_wait3A, %dma_wait3A_48, %dma_wait3A_49] : memref<78x2x128xi32, #tpu.memory_space<vmem>> -> memref<1x1x128xi32, #tpu.memory_space<vmem>>
      %dma_wait3A_51 = tpu.memref_squeeze %dma_wait3A_50 : memref<1x1x128xi32, #tpu.memory_space<vmem>> -> memref<128xi32, #tpu.memory_space<vmem>>
      %dma_wait3A_52 = arith.constant 0 : i32
      %dma_wait3A_53 = tpu.memref_slice %arg4[%dma_wait3A_52] : memref<10240xf32, #tpu.memory_space<vmem_shared>> -> memref<10240xf32, #tpu.memory_space<vmem_shared>>
      tpu.wait_indirect_dma semaphore(%arg9 : memref<!tpu.dma_semaphore, #tpu.memory_space<semaphore_mem>>) src(%arg6 : memref<128xf32, #tpu.memory_space<vmem>>) dst(%dma_wait3A_53 : memref<10240xf32, #tpu.memory_space<vmem_shared>>)
    }
    %scan3A_35 = arith.constant 78 : i32
    %lt3A = arith.constant 4 : i32
    %lt3A_36 = arith.cmpi slt, %add3A, %lt3A : i32
    %convert_element_type3A = arith.extui %lt3A_36 : i1 to i32
    %cond3A = arith.constant 0 : i32
    %cond3A_37 = arith.cmpi ne, %convert_element_type3A, %cond3A : i32
    scf.if %cond3A_37 {
      %add3A_43 = arith.constant 2496 : i32
      %add3A_44 = arith.addi %add3A_43, %add3A : i32
      %mul3A_45 = arith.constant 128 : i32
      %mul3A_46 = arith.muli %add3A_44, %mul3A_45 : i32
      %dma_start3A = arith.constant 0 : i32
      %dma_start3A_47 = arith.constant 0 : i32
      %dma_start3A_48 = arith.constant 0 : i32
      %dma_start3A_49 = tpu.memref_slice %arg5[%dma_start3A, %dma_start3A_47, %dma_start3A_48] : memref<78x2x128xi32, #tpu.memory_space<vmem>> -> memref<1x2x128xi32, #tpu.memory_space<vmem>>
      %dma_start3A_50 = tpu.memref_squeeze %dma_start3A_49 : memref<1x2x128xi32, #tpu.memory_space<vmem>> -> memref<2x128xi32, #tpu.memory_space<vmem>>
      %dma_start3A_51 = arith.constant 0 : i32
      %dma_start3A_52 = tpu.memref_slice %arg2[%dma_start3A_51, %mul3A_46] : memref<2x320000xi32, #tpu.memory_space<hbm>> -> memref<2x128xi32, #tpu.memory_space<hbm>>
      %dma_start3A_53 = arith.constant 0 : i32
      %dma_start3A_54 = arith.constant 0 : i32
      %dma_start3A_55 = tpu.memref_slice %arg5[%dma_start3A, %dma_start3A_53, %dma_start3A_54] : memref<78x2x128xi32, #tpu.memory_space<vmem>> -> memref<1x2x128xi32, #tpu.memory_space<vmem>>
      %dma_start3A_56 = tpu.memref_squeeze %dma_start3A_55 : memref<1x2x128xi32, #tpu.memory_space<vmem>> -> memref<2x128xi32, #tpu.memory_space<vmem>>
      %dma_start3A_57 = arith.constant 0 : i32
      %dma_start3A_58 = tpu.memref_slice %arg2[%dma_start3A_57, %mul3A_46] : memref<2x320000xi32, #tpu.memory_space<hbm>> -> memref<2x128xi32, #tpu.memory_space<hbm>>
      tpu.enqueue_dma source(%dma_start3A_58 : memref<2x128xi32, #tpu.memory_space<hbm>>) target(%dma_start3A_56 : memref<2x128xi32, #tpu.memory_space<vmem>>) target_semaphore(%arg8 : memref<!tpu.dma_semaphore, #tpu.memory_space<semaphore_mem>>)
      %dma_wait3A = arith.constant 0 : i32
      %dma_wait3A_59 = arith.constant 0 : i32
      %dma_wait3A_60 = arith.constant 0 : i32
      %dma_wait3A_61 = tpu.memref_slice %arg5[%dma_wait3A, %dma_wait3A_59, %dma_wait3A_60] : memref<78x2x128xi32, #tpu.memory_space<vmem>> -> memref<1x2x128xi32, #tpu.memory_space<vmem>>
      %dma_wait3A_62 = tpu.memref_squeeze %dma_wait3A_61 : memref<1x2x128xi32, #tpu.memory_space<vmem>> -> memref<2x128xi32, #tpu.memory_space<vmem>>
      %dma_wait3A_63 = arith.constant 0 : i32
      %dma_wait3A_64 = tpu.memref_slice %arg2[%dma_wait3A_63, %mul3A_46] : memref<2x320000xi32, #tpu.memory_space<hbm>> -> memref<2x128xi32, #tpu.memory_space<hbm>>
      %dma_wait3A_65 = arith.constant 0 : i32
      %dma_wait3A_66 = arith.constant 0 : i32
      %dma_wait3A_67 = tpu.memref_slice %arg5[%dma_wait3A, %dma_wait3A_65, %dma_wait3A_66] : memref<78x2x128xi32, #tpu.memory_space<vmem>> -> memref<1x2x128xi32, #tpu.memory_space<vmem>>
      %dma_wait3A_68 = tpu.memref_squeeze %dma_wait3A_67 : memref<1x2x128xi32, #tpu.memory_space<vmem>> -> memref<2x128xi32, #tpu.memory_space<vmem>>
      %dma_wait3A_69 = arith.constant 0 : i32
      %dma_wait3A_70 = tpu.memref_slice %arg2[%dma_wait3A_69, %mul3A_46] : memref<2x320000xi32, #tpu.memory_space<hbm>> -> memref<2x128xi32, #tpu.memory_space<hbm>>
      tpu.wait_dma2 semaphore(%arg8 : memref<!tpu.dma_semaphore, #tpu.memory_space<semaphore_mem>>) src(%dma_wait3A_70 : memref<2x128xi32, #tpu.memory_space<hbm>>) dst(%dma_wait3A_68 : memref<2x128xi32, #tpu.memory_space<vmem>>)
      %run_scoped3A = arith.constant 0 : i32
      %run_scoped3A_71 = arith.constant 1 : i32
      "tpu.region"() ({
        %run_scoped3A_72 = tpu.sem_alloc : memref<!tpu.dma_semaphore, #tpu.memory_space<semaphore_mem>>
        %dma_start3A_73 = arith.constant 0 : i32
        %dma_start3A_74 = tpu.memref_slice %arg5[%run_scoped3A, %run_scoped3A_71, %dma_start3A_73] : memref<78x2x128xi32, #tpu.memory_space<vmem>> -> memref<1x1x128xi32, #tpu.memory_space<vmem>>
        %dma_start3A_75 = tpu.memref_squeeze %dma_start3A_74 : memref<1x1x128xi32, #tpu.memory_space<vmem>> -> memref<128xi32, #tpu.memory_space<vmem>>
        %dma_start3A_76 = arith.constant 0 : i32
        %dma_start3A_77 = tpu.memref_slice %arg4[%dma_start3A_76] : memref<10240xf32, #tpu.memory_space<vmem_shared>> -> memref<10240xf32, #tpu.memory_space<vmem_shared>>
        tpu.enqueue_indirect_dma source(%arg6 : memref<128xf32, #tpu.memory_space<vmem>>) target(%dma_start3A_77 : memref<10240xf32, #tpu.memory_space<vmem_shared>>) offsets(%dma_start3A_75 : memref<128xi32, #tpu.memory_space<vmem>>) semaphore(%run_scoped3A_72 : memref<!tpu.dma_semaphore, #tpu.memory_space<semaphore_mem>>) {add = true}
        %dma_wait3A_78 = arith.constant 0 : i32
        %dma_wait3A_79 = tpu.memref_slice %arg5[%run_scoped3A, %run_scoped3A_71, %dma_wait3A_78] : memref<78x2x128xi32, #tpu.memory_space<vmem>> -> memref<1x1x128xi32, #tpu.memory_space<vmem>>
        %dma_wait3A_80 = tpu.memref_squeeze %dma_wait3A_79 : memref<1x1x128xi32, #tpu.memory_space<vmem>> -> memref<128xi32, #tpu.memory_space<vmem>>
        %dma_wait3A_81 = arith.constant 0 : i32
        %dma_wait3A_82 = tpu.memref_slice %arg4[%dma_wait3A_81] : memref<10240xf32, #tpu.memory_space<vmem_shared>> -> memref<10240xf32, #tpu.memory_space<vmem_shared>>
        tpu.wait_indirect_dma semaphore(%run_scoped3A_72 : memref<!tpu.dma_semaphore, #tpu.memory_space<semaphore_mem>>) src(%arg6 : memref<128xf32, #tpu.memory_space<vmem>>) dst(%dma_wait3A_82 : memref<10240xf32, #tpu.memory_space<vmem_shared>>)
        tpu.yield
      }) : () -> ()
    } else {
    }
    %barrier3A_38 = arith.constant 0 : index
    tpu.barrier barrier_id(%barrier3A_38)
    %mul3A_39 = arith.constant 640 : i32
    %mul3A_40 = arith.muli %arg1, %mul3A_39 : i32
    %mul3A_41 = arith.constant 640 : i32
    %mul3A_42 = arith.muli %arg1, %mul3A_41 : i32
    "tpu.region"() ({
      %run_scoped3A = tpu.sem_alloc : memref<!tpu.dma_semaphore, #tpu.memory_space<semaphore_mem>>
      %dma_start3A = tpu.memref_slice %arg3[%arg0, %mul3A_42] : memref<2x10240xf32, #tpu.memory_space<hbm>> -> memref<1x640xf32, #tpu.memory_space<hbm>>
      %dma_start3A_43 = tpu.memref_squeeze %dma_start3A : memref<1x640xf32, #tpu.memory_space<hbm>> -> memref<640xf32, #tpu.memory_space<hbm>>
      %dma_start3A_44 = tpu.memref_slice %arg4[%mul3A_40] : memref<10240xf32, #tpu.memory_space<vmem_shared>> -> memref<640xf32, #tpu.memory_space<vmem_shared>>
      tpu.enqueue_dma source(%dma_start3A_44 : memref<640xf32, #tpu.memory_space<vmem_shared>>) target(%dma_start3A_43 : memref<640xf32, #tpu.memory_space<hbm>>) target_semaphore(%run_scoped3A : memref<!tpu.dma_semaphore, #tpu.memory_space<semaphore_mem>>)
      %dma_wait3A = tpu.memref_slice %arg3[%arg0, %mul3A_42] : memref<2x10240xf32, #tpu.memory_space<hbm>> -> memref<1x640xf32, #tpu.memory_space<hbm>>
      %dma_wait3A_45 = tpu.memref_squeeze %dma_wait3A : memref<1x640xf32, #tpu.memory_space<hbm>> -> memref<640xf32, #tpu.memory_space<hbm>>
      %dma_wait3A_46 = tpu.memref_slice %arg4[%mul3A_40] : memref<10240xf32, #tpu.memory_space<vmem_shared>> -> memref<640xf32, #tpu.memory_space<vmem_shared>>
      tpu.wait_dma2 semaphore(%run_scoped3A : memref<!tpu.dma_semaphore, #tpu.memory_space<semaphore_mem>>) src(%dma_wait3A_46 : memref<640xf32, #tpu.memory_space<vmem_shared>>) dst(%dma_wait3A_45 : memref<640xf32, #tpu.memory_space<hbm>>)
      tpu.yield
    }) : () -> ()
    return
  }
}

#map = affine_map<(d0, d1) -> (0, 0)>
#map1 = affine_map<(d0, d1) -> (0, 0, 0)>
module attributes {stable_mosaic.version = 14 : i64} {
  func.func @_scat_body(%arg0: i32, %arg1: i32, %arg2: memref<10000x128xf32, #tpu.memory_space<hbm>>, %arg3: memref<2x320000xi32, #tpu.memory_space<hbm>>, %arg4: memref<2x10240x128xf32, #tpu.memory_space<hbm>>, %arg5: memref<10240x128xf32, #tpu.memory_space<vmem_shared>>, %arg6: memref<2x2x128xi32, #tpu.memory_space<vmem>>, %arg7: memref<2x2x128xi32, #tpu.memory_space<vmem>>, %arg8: memref<2x128x128xf32, #tpu.memory_space<vmem>>, %arg9: memref<64x128xf32, #tpu.memory_space<vmem>>, %arg10: memref<!tpu.dma_semaphore, #tpu.memory_space<semaphore_mem>>, %arg11: memref<!tpu.dma_semaphore, #tpu.memory_space<semaphore_mem>>, %arg12: memref<!tpu.dma_semaphore, #tpu.memory_space<semaphore_mem>>, %arg13: memref<!tpu.dma_semaphore, #tpu.memory_space<semaphore_mem>>, %arg14: memref<!tpu.dma_semaphore, #tpu.memory_space<semaphore_mem>>, %arg15: memref<!tpu.dma_semaphore, #tpu.memory_space<semaphore_mem>>) attributes {dimension_semantics = [#tpu.dimension_semantics<core_parallel>, #tpu.dimension_semantics<subcore_parallel>], iteration_bounds = array<i64: 2, 16>, scalar_prefetch = 0 : i64, scratch_operands = 11 : i64, tpu.core_type = #tpu.core_type<sc_vector_subcore>, window_params = [{transform_indices = #map}, {transform_indices = #map}, {transform_indices = #map1}]} {
    %mul3A = arith.constant 16 : i32
    %mul3A_0 = arith.muli %arg0, %mul3A : i32
    %add3A = arith.addi %mul3A_0, %arg1 : i32
    %mul3A_1 = arith.constant 78 : i32
    %mul3A_2 = arith.muli %add3A, %mul3A_1 : i32
    %mul3A_3 = arith.constant 128 : i32
    %mul3A_4 = arith.muli %mul3A_2, %mul3A_3 : i32
    %mul3A_5 = arith.constant 640 : i32
    %mul3A_6 = arith.muli %arg1, %mul3A_5 : i32
    %add3A_7 = arith.constant 0 : i32
    %add3A_8 = arith.addi %mul3A_4, %add3A_7 : i32
    %dma_start3A = arith.constant 0 : i32
    %dma_start3A_9 = arith.constant 0 : i32
    %dma_start3A_10 = arith.constant 0 : i32
    %dma_start3A_11 = tpu.memref_slice %arg6[%dma_start3A, %dma_start3A_9, %dma_start3A_10] : memref<2x2x128xi32, #tpu.memory_space<vmem>> -> memref<1x2x128xi32, #tpu.memory_space<vmem>>
    %dma_start3A_12 = tpu.memref_squeeze %dma_start3A_11 : memref<1x2x128xi32, #tpu.memory_space<vmem>> -> memref<2x128xi32, #tpu.memory_space<vmem>>
    %dma_start3A_13 = arith.constant 0 : i32
    %dma_start3A_14 = tpu.memref_slice %arg3[%dma_start3A_13, %add3A_8] : memref<2x320000xi32, #tpu.memory_space<hbm>> -> memref<2x128xi32, #tpu.memory_space<hbm>>
    %dma_start3A_15 = arith.constant 0 : i32
    %dma_start3A_16 = arith.constant 0 : i32
    %dma_start3A_17 = tpu.memref_slice %arg6[%dma_start3A, %dma_start3A_15, %dma_start3A_16] : memref<2x2x128xi32, #tpu.memory_space<vmem>> -> memref<1x2x128xi32, #tpu.memory_space<vmem>>
    %dma_start3A_18 = tpu.memref_squeeze %dma_start3A_17 : memref<1x2x128xi32, #tpu.memory_space<vmem>> -> memref<2x128xi32, #tpu.memory_space<vmem>>
    %dma_start3A_19 = arith.constant 0 : i32
    %dma_start3A_20 = tpu.memref_slice %arg3[%dma_start3A_19, %add3A_8] : memref<2x320000xi32, #tpu.memory_space<hbm>> -> memref<2x128xi32, #tpu.memory_space<hbm>>
    tpu.enqueue_dma source(%dma_start3A_20 : memref<2x128xi32, #tpu.memory_space<hbm>>) target(%dma_start3A_18 : memref<2x128xi32, #tpu.memory_space<vmem>>) target_semaphore(%arg10 : memref<!tpu.dma_semaphore, #tpu.memory_space<semaphore_mem>>)
    %add3A_21 = arith.constant 0 : i32
    %add3A_22 = arith.addi %mul3A_4, %add3A_21 : i32
    %dma_start3A_23 = arith.constant 0 : i32
    %dma_start3A_24 = arith.constant 0 : i32
    %dma_start3A_25 = arith.constant 0 : i32
    %dma_start3A_26 = tpu.memref_slice %arg7[%dma_start3A_23, %dma_start3A_24, %dma_start3A_25] : memref<2x2x128xi32, #tpu.memory_space<vmem>> -> memref<1x2x128xi32, #tpu.memory_space<vmem>>
    %dma_start3A_27 = tpu.memref_squeeze %dma_start3A_26 : memref<1x2x128xi32, #tpu.memory_space<vmem>> -> memref<2x128xi32, #tpu.memory_space<vmem>>
    %dma_start3A_28 = arith.constant 0 : i32
    %dma_start3A_29 = tpu.memref_slice %arg3[%dma_start3A_28, %add3A_22] : memref<2x320000xi32, #tpu.memory_space<hbm>> -> memref<2x128xi32, #tpu.memory_space<hbm>>
    %dma_start3A_30 = arith.constant 0 : i32
    %dma_start3A_31 = arith.constant 0 : i32
    %dma_start3A_32 = tpu.memref_slice %arg7[%dma_start3A_23, %dma_start3A_30, %dma_start3A_31] : memref<2x2x128xi32, #tpu.memory_space<vmem>> -> memref<1x2x128xi32, #tpu.memory_space<vmem>>
    %dma_start3A_33 = tpu.memref_squeeze %dma_start3A_32 : memref<1x2x128xi32, #tpu.memory_space<vmem>> -> memref<2x128xi32, #tpu.memory_space<vmem>>
    %dma_start3A_34 = arith.constant 0 : i32
    %dma_start3A_35 = tpu.memref_slice %arg3[%dma_start3A_34, %add3A_22] : memref<2x320000xi32, #tpu.memory_space<hbm>> -> memref<2x128xi32, #tpu.memory_space<hbm>>
    tpu.enqueue_dma source(%dma_start3A_35 : memref<2x128xi32, #tpu.memory_space<hbm>>) target(%dma_start3A_33 : memref<2x128xi32, #tpu.memory_space<vmem>>) target_semaphore(%arg12 : memref<!tpu.dma_semaphore, #tpu.memory_space<semaphore_mem>>)
    %add3A_36 = arith.constant 128 : i32
    %add3A_37 = arith.addi %mul3A_4, %add3A_36 : i32
    %dma_start3A_38 = arith.constant 1 : i32
    %dma_start3A_39 = arith.constant 0 : i32
    %dma_start3A_40 = arith.constant 0 : i32
    %dma_start3A_41 = tpu.memref_slice %arg6[%dma_start3A_38, %dma_start3A_39, %dma_start3A_40] : memref<2x2x128xi32, #tpu.memory_space<vmem>> -> memref<1x2x128xi32, #tpu.memory_space<vmem>>
    %dma_start3A_42 = tpu.memref_squeeze %dma_start3A_41 : memref<1x2x128xi32, #tpu.memory_space<vmem>> -> memref<2x128xi32, #tpu.memory_space<vmem>>
    %dma_start3A_43 = arith.constant 0 : i32
    %dma_start3A_44 = tpu.memref_slice %arg3[%dma_start3A_43, %add3A_37] : memref<2x320000xi32, #tpu.memory_space<hbm>> -> memref<2x128xi32, #tpu.memory_space<hbm>>
    %dma_start3A_45 = arith.constant 0 : i32
    %dma_start3A_46 = arith.constant 0 : i32
    %dma_start3A_47 = tpu.memref_slice %arg6[%dma_start3A_38, %dma_start3A_45, %dma_start3A_46] : memref<2x2x128xi32, #tpu.memory_space<vmem>> -> memref<1x2x128xi32, #tpu.memory_space<vmem>>
    %dma_start3A_48 = tpu.memref_squeeze %dma_start3A_47 : memref<1x2x128xi32, #tpu.memory_space<vmem>> -> memref<2x128xi32, #tpu.memory_space<vmem>>
    %dma_start3A_49 = arith.constant 0 : i32
    %dma_start3A_50 = tpu.memref_slice %arg3[%dma_start3A_49, %add3A_37] : memref<2x320000xi32, #tpu.memory_space<hbm>> -> memref<2x128xi32, #tpu.memory_space<hbm>>
    tpu.enqueue_dma source(%dma_start3A_50 : memref<2x128xi32, #tpu.memory_space<hbm>>) target(%dma_start3A_48 : memref<2x128xi32, #tpu.memory_space<vmem>>) target_semaphore(%arg11 : memref<!tpu.dma_semaphore, #tpu.memory_space<semaphore_mem>>)
    %add3A_51 = arith.constant 128 : i32
    %add3A_52 = arith.addi %mul3A_4, %add3A_51 : i32
    %dma_start3A_53 = arith.constant 1 : i32
    %dma_start3A_54 = arith.constant 0 : i32
    %dma_start3A_55 = arith.constant 0 : i32
    %dma_start3A_56 = tpu.memref_slice %arg7[%dma_start3A_53, %dma_start3A_54, %dma_start3A_55] : memref<2x2x128xi32, #tpu.memory_space<vmem>> -> memref<1x2x128xi32, #tpu.memory_space<vmem>>
    %dma_start3A_57 = tpu.memref_squeeze %dma_start3A_56 : memref<1x2x128xi32, #tpu.memory_space<vmem>> -> memref<2x128xi32, #tpu.memory_space<vmem>>
    %dma_start3A_58 = arith.constant 0 : i32
    %dma_start3A_59 = tpu.memref_slice %arg3[%dma_start3A_58, %add3A_52] : memref<2x320000xi32, #tpu.memory_space<hbm>> -> memref<2x128xi32, #tpu.memory_space<hbm>>
    %dma_start3A_60 = arith.constant 0 : i32
    %dma_start3A_61 = arith.constant 0 : i32
    %dma_start3A_62 = tpu.memref_slice %arg7[%dma_start3A_53, %dma_start3A_60, %dma_start3A_61] : memref<2x2x128xi32, #tpu.memory_space<vmem>> -> memref<1x2x128xi32, #tpu.memory_space<vmem>>
    %dma_start3A_63 = tpu.memref_squeeze %dma_start3A_62 : memref<1x2x128xi32, #tpu.memory_space<vmem>> -> memref<2x128xi32, #tpu.memory_space<vmem>>
    %dma_start3A_64 = arith.constant 0 : i32
    %dma_start3A_65 = tpu.memref_slice %arg3[%dma_start3A_64, %add3A_52] : memref<2x320000xi32, #tpu.memory_space<hbm>> -> memref<2x128xi32, #tpu.memory_space<hbm>>
    tpu.enqueue_dma source(%dma_start3A_65 : memref<2x128xi32, #tpu.memory_space<hbm>>) target(%dma_start3A_63 : memref<2x128xi32, #tpu.memory_space<vmem>>) target_semaphore(%arg13 : memref<!tpu.dma_semaphore, #tpu.memory_space<semaphore_mem>>)
    %scan3A = arith.constant 0 : i32
    %scan3A_66 = arith.constant 64 : i32
    %scan3A_67 = arith.addi %scan3A, %scan3A_66 : i32
    %scan3A_68 = arith.constant 1 : i32
    scf.for %scan3A_169 = %scan3A to %scan3A_67 step %scan3A_68  : i32 {
      %mul3A_170 = arith.constant 1 : i32
      %mul3A_171 = arith.muli %scan3A_169, %mul3A_170 : i32
      %add3A_172 = arith.constant 0 : i32
      %add3A_173 = arith.addi %add3A_172, %mul3A_171 : i32
      %scan3A_174 = arith.constant 0 : i32
      %scan3A_175 = arith.constant 8 : i32
      %scan3A_176 = arith.addi %scan3A_174, %scan3A_175 : i32
      %scan3A_177 = arith.constant 1 : i32
      scf.for %scan3A_179 = %scan3A_174 to %scan3A_176 step %scan3A_177  : i32 {
        %mul3A_180 = arith.constant 1 : i32
        %mul3A_181 = arith.muli %scan3A_179, %mul3A_180 : i32
        %add3A_182 = arith.constant 0 : i32
        %add3A_183 = arith.addi %add3A_182, %mul3A_181 : i32
        %broadcast_in_dim3A = arith.constant 0.000000e+00 : f32
        %broadcast_in_dim3A_184 = vector.broadcast %broadcast_in_dim3A : f32 to vector<16xf32>
        %mul3A_185 = arith.constant 16 : i32
        %mul3A_186 = arith.muli %add3A_183, %mul3A_185 : i32
        %swap3A = arith.index_cast %add3A_173 : i32 to index
        %swap3A_187 = arith.index_cast %mul3A_186 : i32 to index
        %swap3A_188 = tpu.vector_load %arg9[%swap3A, %swap3A_187] {strides = array<i32>} : memref<64x128xf32, #tpu.memory_space<vmem>>, vector<1x16xf32>,
        %swap3A_189 = vector.shape_cast %swap3A_188 : vector<1x16xf32> to vector<16xf32>
        %swap3A_190 = vector.shape_cast %broadcast_in_dim3A_184 : vector<16xf32> to vector<1x16xf32>
        tpu.vector_store %arg9[%swap3A, %swap3A_187], %swap3A_190 {strides = array<i32>} : memref<64x128xf32, #tpu.memory_space<vmem>>, vector<1x16xf32>,
      }
      %scan3A_178 = arith.constant 8 : i32
    }
    %scan3A_69 = arith.constant 64 : i32
    %dma_wait3A = arith.constant 0 : i32
    %dma_wait3A_70 = arith.constant 0 : i32
    %dma_wait3A_71 = arith.constant 0 : i32
    %dma_wait3A_72 = tpu.memref_slice %arg6[%dma_wait3A, %dma_wait3A_70, %dma_wait3A_71] : memref<2x2x128xi32, #tpu.memory_space<vmem>> -> memref<1x2x128xi32, #tpu.memory_space<vmem>>
    %dma_wait3A_73 = tpu.memref_squeeze %dma_wait3A_72 : memref<1x2x128xi32, #tpu.memory_space<vmem>> -> memref<2x128xi32, #tpu.memory_space<vmem>>
    %dma_wait3A_74 = arith.constant 0 : i32
    %dma_wait3A_75 = tpu.memref_slice %arg3[%dma_wait3A_74, %mul3A_4] : memref<2x320000xi32, #tpu.memory_space<hbm>> -> memref<2x128xi32, #tpu.memory_space<hbm>>
    %dma_wait3A_76 = arith.constant 0 : i32
    %dma_wait3A_77 = arith.constant 0 : i32
    %dma_wait3A_78 = tpu.memref_slice %arg6[%dma_wait3A, %dma_wait3A_76, %dma_wait3A_77] : memref<2x2x128xi32, #tpu.memory_space<vmem>> -> memref<1x2x128xi32, #tpu.memory_space<vmem>>
    %dma_wait3A_79 = tpu.memref_squeeze %dma_wait3A_78 : memref<1x2x128xi32, #tpu.memory_space<vmem>> -> memref<2x128xi32, #tpu.memory_space<vmem>>
    %dma_wait3A_80 = arith.constant 0 : i32
    %dma_wait3A_81 = tpu.memref_slice %arg3[%dma_wait3A_80, %mul3A_4] : memref<2x320000xi32, #tpu.memory_space<hbm>> -> memref<2x128xi32, #tpu.memory_space<hbm>>
    tpu.wait_dma2 semaphore(%arg10 : memref<!tpu.dma_semaphore, #tpu.memory_space<semaphore_mem>>) src(%dma_wait3A_81 : memref<2x128xi32, #tpu.memory_space<hbm>>) dst(%dma_wait3A_79 : memref<2x128xi32, #tpu.memory_space<vmem>>)
    %dma_start3A_82 = arith.constant 0 : i32
    %dma_start3A_83 = arith.constant 0 : i32
    %dma_start3A_84 = arith.constant 0 : i32
    %dma_start3A_85 = arith.constant 0 : i32
    %dma_start3A_86 = arith.constant 0 : i32
    %dma_start3A_87 = tpu.memref_slice %arg8[%dma_start3A_84, %dma_start3A_85, %dma_start3A_86] : memref<2x128x128xf32, #tpu.memory_space<vmem>> -> memref<1x128x128xf32, #tpu.memory_space<vmem>>
    %dma_start3A_88 = tpu.memref_squeeze %dma_start3A_87 : memref<1x128x128xf32, #tpu.memory_space<vmem>> -> memref<128x128xf32, #tpu.memory_space<vmem>>
    %dma_start3A_89 = arith.constant 0 : i32
    %dma_start3A_90 = tpu.memref_slice %arg6[%dma_start3A_82, %dma_start3A_83, %dma_start3A_89] : memref<2x2x128xi32, #tpu.memory_space<vmem>> -> memref<1x1x128xi32, #tpu.memory_space<vmem>>
    %dma_start3A_91 = tpu.memref_squeeze %dma_start3A_90 : memref<1x1x128xi32, #tpu.memory_space<vmem>> -> memref<128xi32, #tpu.memory_space<vmem>>
    %dma_start3A_92 = arith.constant 0 : i32
    %dma_start3A_93 = arith.constant 0 : i32
    %dma_start3A_94 = tpu.memref_slice %arg2[%dma_start3A_92, %dma_start3A_93] : memref<10000x128xf32, #tpu.memory_space<hbm>> -> memref<10000x128xf32, #tpu.memory_space<hbm>>
    tpu.enqueue_indirect_dma source(%dma_start3A_94 : memref<10000x128xf32, #tpu.memory_space<hbm>>) target(%dma_start3A_88 : memref<128x128xf32, #tpu.memory_space<vmem>>) offsets(%dma_start3A_91 : memref<128xi32, #tpu.memory_space<vmem>>) semaphore(%arg14 : memref<!tpu.dma_semaphore, #tpu.memory_space<semaphore_mem>>)
    %dma_wait3A_95 = arith.constant 1 : i32
    %dma_wait3A_96 = arith.constant 0 : i32
    %dma_wait3A_97 = arith.constant 0 : i32
    %dma_wait3A_98 = tpu.memref_slice %arg6[%dma_wait3A_95, %dma_wait3A_96, %dma_wait3A_97] : memref<2x2x128xi32, #tpu.memory_space<vmem>> -> memref<1x2x128xi32, #tpu.memory_space<vmem>>
    %dma_wait3A_99 = tpu.memref_squeeze %dma_wait3A_98 : memref<1x2x128xi32, #tpu.memory_space<vmem>> -> memref<2x128xi32, #tpu.memory_space<vmem>>
    %dma_wait3A_100 = arith.constant 0 : i32
    %dma_wait3A_101 = tpu.memref_slice %arg3[%dma_wait3A_100, %mul3A_4] : memref<2x320000xi32, #tpu.memory_space<hbm>> -> memref<2x128xi32, #tpu.memory_space<hbm>>
    %dma_wait3A_102 = arith.constant 0 : i32
    %dma_wait3A_103 = arith.constant 0 : i32
    %dma_wait3A_104 = tpu.memref_slice %arg6[%dma_wait3A_95, %dma_wait3A_102, %dma_wait3A_103] : memref<2x2x128xi32, #tpu.memory_space<vmem>> -> memref<1x2x128xi32, #tpu.memory_space<vmem>>
    %dma_wait3A_105 = tpu.memref_squeeze %dma_wait3A_104 : memref<1x2x128xi32, #tpu.memory_space<vmem>> -> memref<2x128xi32, #tpu.memory_space<vmem>>
    %dma_wait3A_106 = arith.constant 0 : i32
    %dma_wait3A_107 = tpu.memref_slice %arg3[%dma_wait3A_106, %mul3A_4] : memref<2x320000xi32, #tpu.memory_space<hbm>> -> memref<2x128xi32, #tpu.memory_space<hbm>>
    tpu.wait_dma2 semaphore(%arg11 : memref<!tpu.dma_semaphore, #tpu.memory_space<semaphore_mem>>) src(%dma_wait3A_107 : memref<2x128xi32, #tpu.memory_space<hbm>>) dst(%dma_wait3A_105 : memref<2x128xi32, #tpu.memory_space<vmem>>)
    %dma_start3A_108 = arith.constant 1 : i32
    %dma_start3A_109 = arith.constant 0 : i32
    %dma_start3A_110 = arith.constant 1 : i32
    %dma_start3A_111 = arith.constant 0 : i32
    %dma_start3A_112 = arith.constant 0 : i32
    %dma_start3A_113 = tpu.memref_slice %arg8[%dma_start3A_110, %dma_start3A_111, %dma_start3A_112] : memref<2x128x128xf32, #tpu.memory_space<vmem>> -> memref<1x128x128xf32, #tpu.memory_space<vmem>>
    %dma_start3A_114 = tpu.memref_squeeze %dma_start3A_113 : memref<1x128x128xf32, #tpu.memory_space<vmem>> -> memref<128x128xf32, #tpu.memory_space<vmem>>
    %dma_start3A_115 = arith.constant 0 : i32
    %dma_start3A_116 = tpu.memref_slice %arg6[%dma_start3A_108, %dma_start3A_109, %dma_start3A_115] : memref<2x2x128xi32, #tpu.memory_space<vmem>> -> memref<1x1x128xi32, #tpu.memory_space<vmem>>
    %dma_start3A_117 = tpu.memref_squeeze %dma_start3A_116 : memref<1x1x128xi32, #tpu.memory_space<vmem>> -> memref<128xi32, #tpu.memory_space<vmem>>
    %dma_start3A_118 = arith.constant 0 : i32
    %dma_start3A_119 = arith.constant 0 : i32
    %dma_start3A_120 = tpu.memref_slice %arg2[%dma_start3A_118, %dma_start3A_119] : memref<10000x128xf32, #tpu.memory_space<hbm>> -> memref<10000x128xf32, #tpu.memory_space<hbm>>
    tpu.enqueue_indirect_dma source(%dma_start3A_120 : memref<10000x128xf32, #tpu.memory_space<hbm>>) target(%dma_start3A_114 : memref<128x128xf32, #tpu.memory_space<vmem>>) offsets(%dma_start3A_117 : memref<128xi32, #tpu.memory_space<vmem>>) semaphore(%arg15 : memref<!tpu.dma_semaphore, #tpu.memory_space<semaphore_mem>>)
    %add3A_121 = arith.constant 0 : i32
    %add3A_122 = arith.addi %mul3A_6, %add3A_121 : i32
    "tpu.region"() ({
      %run_scoped3A = tpu.sem_alloc : memref<!tpu.dma_semaphore, #tpu.memory_space<semaphore_mem>>
      %dma_start3A_169 = arith.constant 0 : i32
      %dma_start3A_170 = tpu.memref_slice %arg5[%add3A_122, %dma_start3A_169] : memref<10240x128xf32, #tpu.memory_space<vmem_shared>> -> memref<64x128xf32, #tpu.memory_space<vmem_shared>>
      %dma_start3A_171 = arith.constant 0 : i32
      %dma_start3A_172 = tpu.memref_slice %arg5[%add3A_122, %dma_start3A_171] : memref<10240x128xf32, #tpu.memory_space<vmem_shared>> -> memref<64x128xf32, #tpu.memory_space<vmem_shared>>
      tpu.enqueue_dma source(%arg9 : memref<64x128xf32, #tpu.memory_space<vmem>>) target(%dma_start3A_172 : memref<64x128xf32, #tpu.memory_space<vmem_shared>>) target_semaphore(%run_scoped3A : memref<!tpu.dma_semaphore, #tpu.memory_space<semaphore_mem>>)
      %dma_wait3A_173 = arith.constant 0 : i32
      %dma_wait3A_174 = tpu.memref_slice %arg5[%add3A_122, %dma_wait3A_173] : memref<10240x128xf32, #tpu.memory_space<vmem_shared>> -> memref<64x128xf32, #tpu.memory_space<vmem_shared>>
      %dma_wait3A_175 = arith.constant 0 : i32
      %dma_wait3A_176 = tpu.memref_slice %arg5[%add3A_122, %dma_wait3A_175] : memref<10240x128xf32, #tpu.memory_space<vmem_shared>> -> memref<64x128xf32, #tpu.memory_space<vmem_shared>>
      tpu.wait_dma2 semaphore(%run_scoped3A : memref<!tpu.dma_semaphore, #tpu.memory_space<semaphore_mem>>) src(%arg9 : memref<64x128xf32, #tpu.memory_space<vmem>>) dst(%dma_wait3A_176 : memref<64x128xf32, #tpu.memory_space<vmem_shared>>)
      tpu.yield
    }) : () -> ()
    %add3A_123 = arith.constant 64 : i32
    %add3A_124 = arith.addi %mul3A_6, %add3A_123 : i32
    "tpu.region"() ({
      %run_scoped3A = tpu.sem_alloc : memref<!tpu.dma_semaphore, #tpu.memory_space<semaphore_mem>>
      %dma_start3A_169 = arith.constant 0 : i32
      %dma_start3A_170 = tpu.memref_slice %arg5[%add3A_124, %dma_start3A_169] : memref<10240x128xf32, #tpu.memory_space<vmem_shared>> -> memref<64x128xf32, #tpu.memory_space<vmem_shared>>
      %dma_start3A_171 = arith.constant 0 : i32
      %dma_start3A_172 = tpu.memref_slice %arg5[%add3A_124, %dma_start3A_171] : memref<10240x128xf32, #tpu.memory_space<vmem_shared>> -> memref<64x128xf32, #tpu.memory_space<vmem_shared>>
      tpu.enqueue_dma source(%arg9 : memref<64x128xf32, #tpu.memory_space<vmem>>) target(%dma_start3A_172 : memref<64x128xf32, #tpu.memory_space<vmem_shared>>) target_semaphore(%run_scoped3A : memref<!tpu.dma_semaphore, #tpu.memory_space<semaphore_mem>>)
      %dma_wait3A_173 = arith.constant 0 : i32
      %dma_wait3A_174 = tpu.memref_slice %arg5[%add3A_124, %dma_wait3A_173] : memref<10240x128xf32, #tpu.memory_space<vmem_shared>> -> memref<64x128xf32, #tpu.memory_space<vmem_shared>>
      %dma_wait3A_175 = arith.constant 0 : i32
      %dma_wait3A_176 = tpu.memref_slice %arg5[%add3A_124, %dma_wait3A_175] : memref<10240x128xf32, #tpu.memory_space<vmem_shared>> -> memref<64x128xf32, #tpu.memory_space<vmem_shared>>
      tpu.wait_dma2 semaphore(%run_scoped3A : memref<!tpu.dma_semaphore, #tpu.memory_space<semaphore_mem>>) src(%arg9 : memref<64x128xf32, #tpu.memory_space<vmem>>) dst(%dma_wait3A_176 : memref<64x128xf32, #tpu.memory_space<vmem_shared>>)
      tpu.yield
    }) : () -> ()
    %add3A_125 = arith.constant 128 : i32
    %add3A_126 = arith.addi %mul3A_6, %add3A_125 : i32
    "tpu.region"() ({
      %run_scoped3A = tpu.sem_alloc : memref<!tpu.dma_semaphore, #tpu.memory_space<semaphore_mem>>
      %dma_start3A_169 = arith.constant 0 : i32
      %dma_start3A_170 = tpu.memref_slice %arg5[%add3A_126, %dma_start3A_169] : memref<10240x128xf32, #tpu.memory_space<vmem_shared>> -> memref<64x128xf32, #tpu.memory_space<vmem_shared>>
      %dma_start3A_171 = arith.constant 0 : i32
      %dma_start3A_172 = tpu.memref_slice %arg5[%add3A_126, %dma_start3A_171] : memref<10240x128xf32, #tpu.memory_space<vmem_shared>> -> memref<64x128xf32, #tpu.memory_space<vmem_shared>>
      tpu.enqueue_dma source(%arg9 : memref<64x128xf32, #tpu.memory_space<vmem>>) target(%dma_start3A_172 : memref<64x128xf32, #tpu.memory_space<vmem_shared>>) target_semaphore(%run_scoped3A : memref<!tpu.dma_semaphore, #tpu.memory_space<semaphore_mem>>)
      %dma_wait3A_173 = arith.constant 0 : i32
      %dma_wait3A_174 = tpu.memref_slice %arg5[%add3A_126, %dma_wait3A_173] : memref<10240x128xf32, #tpu.memory_space<vmem_shared>> -> memref<64x128xf32, #tpu.memory_space<vmem_shared>>
      %dma_wait3A_175 = arith.constant 0 : i32
      %dma_wait3A_176 = tpu.memref_slice %arg5[%add3A_126, %dma_wait3A_175] : memref<10240x128xf32, #tpu.memory_space<vmem_shared>> -> memref<64x128xf32, #tpu.memory_space<vmem_shared>>
      tpu.wait_dma2 semaphore(%run_scoped3A : memref<!tpu.dma_semaphore, #tpu.memory_space<semaphore_mem>>) src(%arg9 : memref<64x128xf32, #tpu.memory_space<vmem>>) dst(%dma_wait3A_176 : memref<64x128xf32, #tpu.memory_space<vmem_shared>>)
      tpu.yield
    }) : () -> ()
    %add3A_127 = arith.constant 192 : i32
    %add3A_128 = arith.addi %mul3A_6, %add3A_127 : i32
    "tpu.region"() ({
      %run_scoped3A = tpu.sem_alloc : memref<!tpu.dma_semaphore, #tpu.memory_space<semaphore_mem>>
      %dma_start3A_169 = arith.constant 0 : i32
      %dma_start3A_170 = tpu.memref_slice %arg5[%add3A_128, %dma_start3A_169] : memref<10240x128xf32, #tpu.memory_space<vmem_shared>> -> memref<64x128xf32, #tpu.memory_space<vmem_shared>>
      %dma_start3A_171 = arith.constant 0 : i32
      %dma_start3A_172 = tpu.memref_slice %arg5[%add3A_128, %dma_start3A_171] : memref<10240x128xf32, #tpu.memory_space<vmem_shared>> -> memref<64x128xf32, #tpu.memory_space<vmem_shared>>
      tpu.enqueue_dma source(%arg9 : memref<64x128xf32, #tpu.memory_space<vmem>>) target(%dma_start3A_172 : memref<64x128xf32, #tpu.memory_space<vmem_shared>>) target_semaphore(%run_scoped3A : memref<!tpu.dma_semaphore, #tpu.memory_space<semaphore_mem>>)
      %dma_wait3A_173 = arith.constant 0 : i32
      %dma_wait3A_174 = tpu.memref_slice %arg5[%add3A_128, %dma_wait3A_173] : memref<10240x128xf32, #tpu.memory_space<vmem_shared>> -> memref<64x128xf32, #tpu.memory_space<vmem_shared>>
      %dma_wait3A_175 = arith.constant 0 : i32
      %dma_wait3A_176 = tpu.memref_slice %arg5[%add3A_128, %dma_wait3A_175] : memref<10240x128xf32, #tpu.memory_space<vmem_shared>> -> memref<64x128xf32, #tpu.memory_space<vmem_shared>>
      tpu.wait_dma2 semaphore(%run_scoped3A : memref<!tpu.dma_semaphore, #tpu.memory_space<semaphore_mem>>) src(%arg9 : memref<64x128xf32, #tpu.memory_space<vmem>>) dst(%dma_wait3A_176 : memref<64x128xf32, #tpu.memory_space<vmem_shared>>)
      tpu.yield
    }) : () -> ()
    %add3A_129 = arith.constant 256 : i32
    %add3A_130 = arith.addi %mul3A_6, %add3A_129 : i32
    "tpu.region"() ({
      %run_scoped3A = tpu.sem_alloc : memref<!tpu.dma_semaphore, #tpu.memory_space<semaphore_mem>>
      %dma_start3A_169 = arith.constant 0 : i32
      %dma_start3A_170 = tpu.memref_slice %arg5[%add3A_130, %dma_start3A_169] : memref<10240x128xf32, #tpu.memory_space<vmem_shared>> -> memref<64x128xf32, #tpu.memory_space<vmem_shared>>
      %dma_start3A_171 = arith.constant 0 : i32
      %dma_start3A_172 = tpu.memref_slice %arg5[%add3A_130, %dma_start3A_171] : memref<10240x128xf32, #tpu.memory_space<vmem_shared>> -> memref<64x128xf32, #tpu.memory_space<vmem_shared>>
      tpu.enqueue_dma source(%arg9 : memref<64x128xf32, #tpu.memory_space<vmem>>) target(%dma_start3A_172 : memref<64x128xf32, #tpu.memory_space<vmem_shared>>) target_semaphore(%run_scoped3A : memref<!tpu.dma_semaphore, #tpu.memory_space<semaphore_mem>>)
      %dma_wait3A_173 = arith.constant 0 : i32
      %dma_wait3A_174 = tpu.memref_slice %arg5[%add3A_130, %dma_wait3A_173] : memref<10240x128xf32, #tpu.memory_space<vmem_shared>> -> memref<64x128xf32, #tpu.memory_space<vmem_shared>>
      %dma_wait3A_175 = arith.constant 0 : i32
      %dma_wait3A_176 = tpu.memref_slice %arg5[%add3A_130, %dma_wait3A_175] : memref<10240x128xf32, #tpu.memory_space<vmem_shared>> -> memref<64x128xf32, #tpu.memory_space<vmem_shared>>
      tpu.wait_dma2 semaphore(%run_scoped3A : memref<!tpu.dma_semaphore, #tpu.memory_space<semaphore_mem>>) src(%arg9 : memref<64x128xf32, #tpu.memory_space<vmem>>) dst(%dma_wait3A_176 : memref<64x128xf32, #tpu.memory_space<vmem_shared>>)
      tpu.yield
    }) : () -> ()
    %add3A_131 = arith.constant 320 : i32
    %add3A_132 = arith.addi %mul3A_6, %add3A_131 : i32
    "tpu.region"() ({
      %run_scoped3A = tpu.sem_alloc : memref<!tpu.dma_semaphore, #tpu.memory_space<semaphore_mem>>
      %dma_start3A_169 = arith.constant 0 : i32
      %dma_start3A_170 = tpu.memref_slice %arg5[%add3A_132, %dma_start3A_169] : memref<10240x128xf32, #tpu.memory_space<vmem_shared>> -> memref<64x128xf32, #tpu.memory_space<vmem_shared>>
      %dma_start3A_171 = arith.constant 0 : i32
      %dma_start3A_172 = tpu.memref_slice %arg5[%add3A_132, %dma_start3A_171] : memref<10240x128xf32, #tpu.memory_space<vmem_shared>> -> memref<64x128xf32, #tpu.memory_space<vmem_shared>>
      tpu.enqueue_dma source(%arg9 : memref<64x128xf32, #tpu.memory_space<vmem>>) target(%dma_start3A_172 : memref<64x128xf32, #tpu.memory_space<vmem_shared>>) target_semaphore(%run_scoped3A : memref<!tpu.dma_semaphore, #tpu.memory_space<semaphore_mem>>)
      %dma_wait3A_173 = arith.constant 0 : i32
      %dma_wait3A_174 = tpu.memref_slice %arg5[%add3A_132, %dma_wait3A_173] : memref<10240x128xf32, #tpu.memory_space<vmem_shared>> -> memref<64x128xf32, #tpu.memory_space<vmem_shared>>
      %dma_wait3A_175 = arith.constant 0 : i32
      %dma_wait3A_176 = tpu.memref_slice %arg5[%add3A_132, %dma_wait3A_175] : memref<10240x128xf32, #tpu.memory_space<vmem_shared>> -> memref<64x128xf32, #tpu.memory_space<vmem_shared>>
      tpu.wait_dma2 semaphore(%run_scoped3A : memref<!tpu.dma_semaphore, #tpu.memory_space<semaphore_mem>>) src(%arg9 : memref<64x128xf32, #tpu.memory_space<vmem>>) dst(%dma_wait3A_176 : memref<64x128xf32, #tpu.memory_space<vmem_shared>>)
      tpu.yield
    }) : () -> ()
    %add3A_133 = arith.constant 384 : i32
    %add3A_134 = arith.addi %mul3A_6, %add3A_133 : i32
    "tpu.region"() ({
      %run_scoped3A = tpu.sem_alloc : memref<!tpu.dma_semaphore, #tpu.memory_space<semaphore_mem>>
      %dma_start3A_169 = arith.constant 0 : i32
      %dma_start3A_170 = tpu.memref_slice %arg5[%add3A_134, %dma_start3A_169] : memref<10240x128xf32, #tpu.memory_space<vmem_shared>> -> memref<64x128xf32, #tpu.memory_space<vmem_shared>>
      %dma_start3A_171 = arith.constant 0 : i32
      %dma_start3A_172 = tpu.memref_slice %arg5[%add3A_134, %dma_start3A_171] : memref<10240x128xf32, #tpu.memory_space<vmem_shared>> -> memref<64x128xf32, #tpu.memory_space<vmem_shared>>
      tpu.enqueue_dma source(%arg9 : memref<64x128xf32, #tpu.memory_space<vmem>>) target(%dma_start3A_172 : memref<64x128xf32, #tpu.memory_space<vmem_shared>>) target_semaphore(%run_scoped3A : memref<!tpu.dma_semaphore, #tpu.memory_space<semaphore_mem>>)
      %dma_wait3A_173 = arith.constant 0 : i32
      %dma_wait3A_174 = tpu.memref_slice %arg5[%add3A_134, %dma_wait3A_173] : memref<10240x128xf32, #tpu.memory_space<vmem_shared>> -> memref<64x128xf32, #tpu.memory_space<vmem_shared>>
      %dma_wait3A_175 = arith.constant 0 : i32
      %dma_wait3A_176 = tpu.memref_slice %arg5[%add3A_134, %dma_wait3A_175] : memref<10240x128xf32, #tpu.memory_space<vmem_shared>> -> memref<64x128xf32, #tpu.memory_space<vmem_shared>>
      tpu.wait_dma2 semaphore(%run_scoped3A : memref<!tpu.dma_semaphore, #tpu.memory_space<semaphore_mem>>) src(%arg9 : memref<64x128xf32, #tpu.memory_space<vmem>>) dst(%dma_wait3A_176 : memref<64x128xf32, #tpu.memory_space<vmem_shared>>)
      tpu.yield
    }) : () -> ()
    %add3A_135 = arith.constant 448 : i32
    %add3A_136 = arith.addi %mul3A_6, %add3A_135 : i32
    "tpu.region"() ({
      %run_scoped3A = tpu.sem_alloc : memref<!tpu.dma_semaphore, #tpu.memory_space<semaphore_mem>>
      %dma_start3A_169 = arith.constant 0 : i32
      %dma_start3A_170 = tpu.memref_slice %arg5[%add3A_136, %dma_start3A_169] : memref<10240x128xf32, #tpu.memory_space<vmem_shared>> -> memref<64x128xf32, #tpu.memory_space<vmem_shared>>
      %dma_start3A_171 = arith.constant 0 : i32
      %dma_start3A_172 = tpu.memref_slice %arg5[%add3A_136, %dma_start3A_171] : memref<10240x128xf32, #tpu.memory_space<vmem_shared>> -> memref<64x128xf32, #tpu.memory_space<vmem_shared>>
      tpu.enqueue_dma source(%arg9 : memref<64x128xf32, #tpu.memory_space<vmem>>) target(%dma_start3A_172 : memref<64x128xf32, #tpu.memory_space<vmem_shared>>) target_semaphore(%run_scoped3A : memref<!tpu.dma_semaphore, #tpu.memory_space<semaphore_mem>>)
      %dma_wait3A_173 = arith.constant 0 : i32
      %dma_wait3A_174 = tpu.memref_slice %arg5[%add3A_136, %dma_wait3A_173] : memref<10240x128xf32, #tpu.memory_space<vmem_shared>> -> memref<64x128xf32, #tpu.memory_space<vmem_shared>>
      %dma_wait3A_175 = arith.constant 0 : i32
      %dma_wait3A_176 = tpu.memref_slice %arg5[%add3A_136, %dma_wait3A_175] : memref<10240x128xf32, #tpu.memory_space<vmem_shared>> -> memref<64x128xf32, #tpu.memory_space<vmem_shared>>
      tpu.wait_dma2 semaphore(%run_scoped3A : memref<!tpu.dma_semaphore, #tpu.memory_space<semaphore_mem>>) src(%arg9 : memref<64x128xf32, #tpu.memory_space<vmem>>) dst(%dma_wait3A_176 : memref<64x128xf32, #tpu.memory_space<vmem_shared>>)
      tpu.yield
    }) : () -> ()
    %add3A_137 = arith.constant 512 : i32
    %add3A_138 = arith.addi %mul3A_6, %add3A_137 : i32
    "tpu.region"() ({
      %run_scoped3A = tpu.sem_alloc : memref<!tpu.dma_semaphore, #tpu.memory_space<semaphore_mem>>
      %dma_start3A_169 = arith.constant 0 : i32
      %dma_start3A_170 = tpu.memref_slice %arg5[%add3A_138, %dma_start3A_169] : memref<10240x128xf32, #tpu.memory_space<vmem_shared>> -> memref<64x128xf32, #tpu.memory_space<vmem_shared>>
      %dma_start3A_171 = arith.constant 0 : i32
      %dma_start3A_172 = tpu.memref_slice %arg5[%add3A_138, %dma_start3A_171] : memref<10240x128xf32, #tpu.memory_space<vmem_shared>> -> memref<64x128xf32, #tpu.memory_space<vmem_shared>>
      tpu.enqueue_dma source(%arg9 : memref<64x128xf32, #tpu.memory_space<vmem>>) target(%dma_start3A_172 : memref<64x128xf32, #tpu.memory_space<vmem_shared>>) target_semaphore(%run_scoped3A : memref<!tpu.dma_semaphore, #tpu.memory_space<semaphore_mem>>)
      %dma_wait3A_173 = arith.constant 0 : i32
      %dma_wait3A_174 = tpu.memref_slice %arg5[%add3A_138, %dma_wait3A_173] : memref<10240x128xf32, #tpu.memory_space<vmem_shared>> -> memref<64x128xf32, #tpu.memory_space<vmem_shared>>
      %dma_wait3A_175 = arith.constant 0 : i32
      %dma_wait3A_176 = tpu.memref_slice %arg5[%add3A_138, %dma_wait3A_175] : memref<10240x128xf32, #tpu.memory_space<vmem_shared>> -> memref<64x128xf32, #tpu.memory_space<vmem_shared>>
      tpu.wait_dma2 semaphore(%run_scoped3A : memref<!tpu.dma_semaphore, #tpu.memory_space<semaphore_mem>>) src(%arg9 : memref<64x128xf32, #tpu.memory_space<vmem>>) dst(%dma_wait3A_176 : memref<64x128xf32, #tpu.memory_space<vmem_shared>>)
      tpu.yield
    }) : () -> ()
    %add3A_139 = arith.constant 576 : i32
    %add3A_140 = arith.addi %mul3A_6, %add3A_139 : i32
    "tpu.region"() ({
      %run_scoped3A = tpu.sem_alloc : memref<!tpu.dma_semaphore, #tpu.memory_space<semaphore_mem>>
      %dma_start3A_169 = arith.constant 0 : i32
      %dma_start3A_170 = tpu.memref_slice %arg5[%add3A_140, %dma_start3A_169] : memref<10240x128xf32, #tpu.memory_space<vmem_shared>> -> memref<64x128xf32, #tpu.memory_space<vmem_shared>>
      %dma_start3A_171 = arith.constant 0 : i32
      %dma_start3A_172 = tpu.memref_slice %arg5[%add3A_140, %dma_start3A_171] : memref<10240x128xf32, #tpu.memory_space<vmem_shared>> -> memref<64x128xf32, #tpu.memory_space<vmem_shared>>
      tpu.enqueue_dma source(%arg9 : memref<64x128xf32, #tpu.memory_space<vmem>>) target(%dma_start3A_172 : memref<64x128xf32, #tpu.memory_space<vmem_shared>>) target_semaphore(%run_scoped3A : memref<!tpu.dma_semaphore, #tpu.memory_space<semaphore_mem>>)
      %dma_wait3A_173 = arith.constant 0 : i32
      %dma_wait3A_174 = tpu.memref_slice %arg5[%add3A_140, %dma_wait3A_173] : memref<10240x128xf32, #tpu.memory_space<vmem_shared>> -> memref<64x128xf32, #tpu.memory_space<vmem_shared>>
      %dma_wait3A_175 = arith.constant 0 : i32
      %dma_wait3A_176 = tpu.memref_slice %arg5[%add3A_140, %dma_wait3A_175] : memref<10240x128xf32, #tpu.memory_space<vmem_shared>> -> memref<64x128xf32, #tpu.memory_space<vmem_shared>>
      tpu.wait_dma2 semaphore(%run_scoped3A : memref<!tpu.dma_semaphore, #tpu.memory_space<semaphore_mem>>) src(%arg9 : memref<64x128xf32, #tpu.memory_space<vmem>>) dst(%dma_wait3A_176 : memref<64x128xf32, #tpu.memory_space<vmem_shared>>)
      tpu.yield
    }) : () -> ()
    %barrier3A = arith.constant 0 : index
    tpu.barrier barrier_id(%barrier3A)
    %scan3A_141 = arith.constant 0 : i32
    %scan3A_142 = arith.constant 39 : i32
    %scan3A_143 = arith.addi %scan3A_141, %scan3A_142 : i32
    %scan3A_144 = arith.constant 1 : i32
    scf.for %scan3A_169 = %scan3A_141 to %scan3A_143 step %scan3A_144  : i32 {
      %mul3A_170 = arith.constant 1 : i32
      %mul3A_171 = arith.muli %scan3A_169, %mul3A_170 : i32
      %add3A_172 = arith.constant 0 : i32
      %add3A_173 = arith.addi %add3A_172, %mul3A_171 : i32
      %mul3A_174 = arith.constant 2 : i32
      %mul3A_175 = arith.muli %add3A_173, %mul3A_174 : i32
      %add3A_176 = arith.constant 0 : i32
      %add3A_177 = arith.addi %mul3A_175, %add3A_176 : i32
      %dma_wait3A_178 = arith.constant 0 : i32
      %dma_wait3A_179 = arith.constant 0 : i32
      %dma_wait3A_180 = arith.constant 0 : i32
      %dma_wait3A_181 = arith.constant 0 : i32
      %dma_wait3A_182 = arith.constant 0 : i32
      %dma_wait3A_183 = tpu.memref_slice %arg8[%dma_wait3A_180, %dma_wait3A_181, %dma_wait3A_182] : memref<2x128x128xf32, #tpu.memory_space<vmem>> -> memref<1x128x128xf32, #tpu.memory_space<vmem>>
      %dma_wait3A_184 = tpu.memref_squeeze %dma_wait3A_183 : memref<1x128x128xf32, #tpu.memory_space<vmem>> -> memref<128x128xf32, #tpu.memory_space<vmem>>
      %dma_wait3A_185 = arith.constant 0 : i32
      %dma_wait3A_186 = tpu.memref_slice %arg6[%dma_wait3A_178, %dma_wait3A_179, %dma_wait3A_185] : memref<2x2x128xi32, #tpu.memory_space<vmem>> -> memref<1x1x128xi32, #tpu.memory_space<vmem>>
      %dma_wait3A_187 = tpu.memref_squeeze %dma_wait3A_186 : memref<1x1x128xi32, #tpu.memory_space<vmem>> -> memref<128xi32, #tpu.memory_space<vmem>>
      %dma_wait3A_188 = arith.constant 0 : i32
      %dma_wait3A_189 = arith.constant 0 : i32
      %dma_wait3A_190 = tpu.memref_slice %arg2[%dma_wait3A_188, %dma_wait3A_189] : memref<10000x128xf32, #tpu.memory_space<hbm>> -> memref<10000x128xf32, #tpu.memory_space<hbm>>
      tpu.wait_indirect_dma semaphore(%arg14 : memref<!tpu.dma_semaphore, #tpu.memory_space<semaphore_mem>>) src(%dma_wait3A_190 : memref<10000x128xf32, #tpu.memory_space<hbm>>) dst(%dma_wait3A_184 : memref<128x128xf32, #tpu.memory_space<vmem>>)
      %add3A_191 = arith.constant 2 : i32
      %add3A_192 = arith.addi %add3A_177, %add3A_191 : i32
      %lt3A_193 = arith.constant 78 : i32
      %lt3A_194 = arith.cmpi slt, %add3A_192, %lt3A_193 : i32
      %convert_element_type3A_195 = arith.extui %lt3A_194 : i1 to i32
      %cond3A_196 = arith.constant 0 : i32
      %cond3A_197 = arith.cmpi ne, %convert_element_type3A_195, %cond3A_196 : i32
      scf.if %cond3A_197 {
        %add3A_281 = arith.constant 2 : i32
        %add3A_282 = arith.addi %add3A_177, %add3A_281 : i32
        %mul3A_283 = arith.constant 128 : i32
        %mul3A_284 = arith.muli %add3A_282, %mul3A_283 : i32
        %add3A_285 = arith.addi %mul3A_4, %mul3A_284 : i32
        %dma_start3A_286 = arith.constant 0 : i32
        %dma_start3A_287 = arith.constant 0 : i32
        %dma_start3A_288 = arith.constant 0 : i32
        %dma_start3A_289 = tpu.memref_slice %arg6[%dma_start3A_286, %dma_start3A_287, %dma_start3A_288] : memref<2x2x128xi32, #tpu.memory_space<vmem>> -> memref<1x2x128xi32, #tpu.memory_space<vmem>>
        %dma_start3A_290 = tpu.memref_squeeze %dma_start3A_289 : memref<1x2x128xi32, #tpu.memory_space<vmem>> -> memref<2x128xi32, #tpu.memory_space<vmem>>
        %dma_start3A_291 = arith.constant 0 : i32
        %dma_start3A_292 = tpu.memref_slice %arg3[%dma_start3A_291, %add3A_285] : memref<2x320000xi32, #tpu.memory_space<hbm>> -> memref<2x128xi32, #tpu.memory_space<hbm>>
        %dma_start3A_293 = arith.constant 0 : i32
        %dma_start3A_294 = arith.constant 0 : i32
        %dma_start3A_295 = tpu.memref_slice %arg6[%dma_start3A_286, %dma_start3A_293, %dma_start3A_294] : memref<2x2x128xi32, #tpu.memory_space<vmem>> -> memref<1x2x128xi32, #tpu.memory_space<vmem>>
        %dma_start3A_296 = tpu.memref_squeeze %dma_start3A_295 : memref<1x2x128xi32, #tpu.memory_space<vmem>> -> memref<2x128xi32, #tpu.memory_space<vmem>>
        %dma_start3A_297 = arith.constant 0 : i32
        %dma_start3A_298 = tpu.memref_slice %arg3[%dma_start3A_297, %add3A_285] : memref<2x320000xi32, #tpu.memory_space<hbm>> -> memref<2x128xi32, #tpu.memory_space<hbm>>
        tpu.enqueue_dma source(%dma_start3A_298 : memref<2x128xi32, #tpu.memory_space<hbm>>) target(%dma_start3A_296 : memref<2x128xi32, #tpu.memory_space<vmem>>) target_semaphore(%arg10 : memref<!tpu.dma_semaphore, #tpu.memory_space<semaphore_mem>>)
      } else {
      }
      %dma_wait3A_198 = arith.constant 0 : i32
      %dma_wait3A_199 = arith.constant 0 : i32
      %dma_wait3A_200 = arith.constant 0 : i32
      %dma_wait3A_201 = tpu.memref_slice %arg7[%dma_wait3A_198, %dma_wait3A_199, %dma_wait3A_200] : memref<2x2x128xi32, #tpu.memory_space<vmem>> -> memref<1x2x128xi32, #tpu.memory_space<vmem>>
      %dma_wait3A_202 = tpu.memref_squeeze %dma_wait3A_201 : memref<1x2x128xi32, #tpu.memory_space<vmem>> -> memref<2x128xi32, #tpu.memory_space<vmem>>
      %dma_wait3A_203 = arith.constant 0 : i32
      %dma_wait3A_204 = tpu.memref_slice %arg3[%dma_wait3A_203, %mul3A_4] : memref<2x320000xi32, #tpu.memory_space<hbm>> -> memref<2x128xi32, #tpu.memory_space<hbm>>
      %dma_wait3A_205 = arith.constant 0 : i32
      %dma_wait3A_206 = arith.constant 0 : i32
      %dma_wait3A_207 = tpu.memref_slice %arg7[%dma_wait3A_198, %dma_wait3A_205, %dma_wait3A_206] : memref<2x2x128xi32, #tpu.memory_space<vmem>> -> memref<1x2x128xi32, #tpu.memory_space<vmem>>
      %dma_wait3A_208 = tpu.memref_squeeze %dma_wait3A_207 : memref<1x2x128xi32, #tpu.memory_space<vmem>> -> memref<2x128xi32, #tpu.memory_space<vmem>>
      %dma_wait3A_209 = arith.constant 0 : i32
      %dma_wait3A_210 = tpu.memref_slice %arg3[%dma_wait3A_209, %mul3A_4] : memref<2x320000xi32, #tpu.memory_space<hbm>> -> memref<2x128xi32, #tpu.memory_space<hbm>>
      tpu.wait_dma2 semaphore(%arg12 : memref<!tpu.dma_semaphore, #tpu.memory_space<semaphore_mem>>) src(%dma_wait3A_210 : memref<2x128xi32, #tpu.memory_space<hbm>>) dst(%dma_wait3A_208 : memref<2x128xi32, #tpu.memory_space<vmem>>)
      %run_scoped3A = arith.constant 0 : i32
      %run_scoped3A_211 = arith.constant 0 : i32
      %run_scoped3A_212 = arith.constant 1 : i32
      "tpu.region"() ({
        %run_scoped3A_281 = tpu.sem_alloc : memref<!tpu.dma_semaphore, #tpu.memory_space<semaphore_mem>>
        %dma_start3A_282 = arith.constant 0 : i32
        %dma_start3A_283 = arith.constant 0 : i32
        %dma_start3A_284 = tpu.memref_slice %arg8[%run_scoped3A, %dma_start3A_282, %dma_start3A_283] : memref<2x128x128xf32, #tpu.memory_space<vmem>> -> memref<1x128x128xf32, #tpu.memory_space<vmem>>
        %dma_start3A_285 = tpu.memref_squeeze %dma_start3A_284 : memref<1x128x128xf32, #tpu.memory_space<vmem>> -> memref<128x128xf32, #tpu.memory_space<vmem>>
        %dma_start3A_286 = arith.constant 0 : i32
        %dma_start3A_287 = tpu.memref_slice %arg7[%run_scoped3A_211, %run_scoped3A_212, %dma_start3A_286] : memref<2x2x128xi32, #tpu.memory_space<vmem>> -> memref<1x1x128xi32, #tpu.memory_space<vmem>>
        %dma_start3A_288 = tpu.memref_squeeze %dma_start3A_287 : memref<1x1x128xi32, #tpu.memory_space<vmem>> -> memref<128xi32, #tpu.memory_space<vmem>>
        %dma_start3A_289 = arith.constant 0 : i32
        %dma_start3A_290 = arith.constant 0 : i32
        %dma_start3A_291 = tpu.memref_slice %arg5[%dma_start3A_289, %dma_start3A_290] : memref<10240x128xf32, #tpu.memory_space<vmem_shared>> -> memref<10240x128xf32, #tpu.memory_space<vmem_shared>>
        tpu.enqueue_indirect_dma source(%dma_start3A_285 : memref<128x128xf32, #tpu.memory_space<vmem>>) target(%dma_start3A_291 : memref<10240x128xf32, #tpu.memory_space<vmem_shared>>) offsets(%dma_start3A_288 : memref<128xi32, #tpu.memory_space<vmem>>) semaphore(%run_scoped3A_281 : memref<!tpu.dma_semaphore, #tpu.memory_space<semaphore_mem>>) {add = true}
        %dma_wait3A_292 = arith.constant 0 : i32
        %dma_wait3A_293 = arith.constant 0 : i32
        %dma_wait3A_294 = tpu.memref_slice %arg8[%run_scoped3A, %dma_wait3A_292, %dma_wait3A_293] : memref<2x128x128xf32, #tpu.memory_space<vmem>> -> memref<1x128x128xf32, #tpu.memory_space<vmem>>
        %dma_wait3A_295 = tpu.memref_squeeze %dma_wait3A_294 : memref<1x128x128xf32, #tpu.memory_space<vmem>> -> memref<128x128xf32, #tpu.memory_space<vmem>>
        %dma_wait3A_296 = arith.constant 0 : i32
        %dma_wait3A_297 = tpu.memref_slice %arg7[%run_scoped3A_211, %run_scoped3A_212, %dma_wait3A_296] : memref<2x2x128xi32, #tpu.memory_space<vmem>> -> memref<1x1x128xi32, #tpu.memory_space<vmem>>
        %dma_wait3A_298 = tpu.memref_squeeze %dma_wait3A_297 : memref<1x1x128xi32, #tpu.memory_space<vmem>> -> memref<128xi32, #tpu.memory_space<vmem>>
        %dma_wait3A_299 = arith.constant 0 : i32
        %dma_wait3A_300 = arith.constant 0 : i32
        %dma_wait3A_301 = tpu.memref_slice %arg5[%dma_wait3A_299, %dma_wait3A_300] : memref<10240x128xf32, #tpu.memory_space<vmem_shared>> -> memref<10240x128xf32, #tpu.memory_space<vmem_shared>>
        tpu.wait_indirect_dma semaphore(%run_scoped3A_281 : memref<!tpu.dma_semaphore, #tpu.memory_space<semaphore_mem>>) src(%dma_wait3A_295 : memref<128x128xf32, #tpu.memory_space<vmem>>) dst(%dma_wait3A_301 : memref<10240x128xf32, #tpu.memory_space<vmem_shared>>)
        tpu.yield
      }) : () -> ()
      %add3A_213 = arith.constant 2 : i32
      %add3A_214 = arith.addi %add3A_177, %add3A_213 : i32
      %lt3A_215 = arith.constant 78 : i32
      %lt3A_216 = arith.cmpi slt, %add3A_214, %lt3A_215 : i32
      %convert_element_type3A_217 = arith.extui %lt3A_216 : i1 to i32
      %cond3A_218 = arith.constant 0 : i32
      %cond3A_219 = arith.cmpi ne, %convert_element_type3A_217, %cond3A_218 : i32
      scf.if %cond3A_219 {
        %add3A_281 = arith.constant 2 : i32
        %add3A_282 = arith.addi %add3A_177, %add3A_281 : i32
        %mul3A_283 = arith.constant 128 : i32
        %mul3A_284 = arith.muli %add3A_282, %mul3A_283 : i32
        %add3A_285 = arith.addi %mul3A_4, %mul3A_284 : i32
        %dma_start3A_286 = arith.constant 0 : i32
        %dma_start3A_287 = arith.constant 0 : i32
        %dma_start3A_288 = arith.constant 0 : i32
        %dma_start3A_289 = tpu.memref_slice %arg7[%dma_start3A_286, %dma_start3A_287, %dma_start3A_288] : memref<2x2x128xi32, #tpu.memory_space<vmem>> -> memref<1x2x128xi32, #tpu.memory_space<vmem>>
        %dma_start3A_290 = tpu.memref_squeeze %dma_start3A_289 : memref<1x2x128xi32, #tpu.memory_space<vmem>> -> memref<2x128xi32, #tpu.memory_space<vmem>>
        %dma_start3A_291 = arith.constant 0 : i32
        %dma_start3A_292 = tpu.memref_slice %arg3[%dma_start3A_291, %add3A_285] : memref<2x320000xi32, #tpu.memory_space<hbm>> -> memref<2x128xi32, #tpu.memory_space<hbm>>
        %dma_start3A_293 = arith.constant 0 : i32
        %dma_start3A_294 = arith.constant 0 : i32
        %dma_start3A_295 = tpu.memref_slice %arg7[%dma_start3A_286, %dma_start3A_293, %dma_start3A_294] : memref<2x2x128xi32, #tpu.memory_space<vmem>> -> memref<1x2x128xi32, #tpu.memory_space<vmem>>
        %dma_start3A_296 = tpu.memref_squeeze %dma_start3A_295 : memref<1x2x128xi32, #tpu.memory_space<vmem>> -> memref<2x128xi32, #tpu.memory_space<vmem>>
        %dma_start3A_297 = arith.constant 0 : i32
        %dma_start3A_298 = tpu.memref_slice %arg3[%dma_start3A_297, %add3A_285] : memref<2x320000xi32, #tpu.memory_space<hbm>> -> memref<2x128xi32, #tpu.memory_space<hbm>>
        tpu.enqueue_dma source(%dma_start3A_298 : memref<2x128xi32, #tpu.memory_space<hbm>>) target(%dma_start3A_296 : memref<2x128xi32, #tpu.memory_space<vmem>>) target_semaphore(%arg12 : memref<!tpu.dma_semaphore, #tpu.memory_space<semaphore_mem>>)
      } else {
      }
      %add3A_220 = arith.constant 2 : i32
      %add3A_221 = arith.addi %add3A_177, %add3A_220 : i32
      %lt3A_222 = arith.constant 78 : i32
      %lt3A_223 = arith.cmpi slt, %add3A_221, %lt3A_222 : i32
      %convert_element_type3A_224 = arith.extui %lt3A_223 : i1 to i32
      %cond3A_225 = arith.constant 0 : i32
      %cond3A_226 = arith.cmpi ne, %convert_element_type3A_224, %cond3A_225 : i32
      scf.if %cond3A_226 {
        %dma_wait3A_281 = arith.constant 0 : i32
        %dma_wait3A_282 = arith.constant 0 : i32
        %dma_wait3A_283 = arith.constant 0 : i32
        %dma_wait3A_284 = tpu.memref_slice %arg6[%dma_wait3A_281, %dma_wait3A_282, %dma_wait3A_283] : memref<2x2x128xi32, #tpu.memory_space<vmem>> -> memref<1x2x128xi32, #tpu.memory_space<vmem>>
        %dma_wait3A_285 = tpu.memref_squeeze %dma_wait3A_284 : memref<1x2x128xi32, #tpu.memory_space<vmem>> -> memref<2x128xi32, #tpu.memory_space<vmem>>
        %dma_wait3A_286 = arith.constant 0 : i32
        %dma_wait3A_287 = tpu.memref_slice %arg3[%dma_wait3A_286, %mul3A_4] : memref<2x320000xi32, #tpu.memory_space<hbm>> -> memref<2x128xi32, #tpu.memory_space<hbm>>
        %dma_wait3A_288 = arith.constant 0 : i32
        %dma_wait3A_289 = arith.constant 0 : i32
        %dma_wait3A_290 = tpu.memref_slice %arg6[%dma_wait3A_281, %dma_wait3A_288, %dma_wait3A_289] : memref<2x2x128xi32, #tpu.memory_space<vmem>> -> memref<1x2x128xi32, #tpu.memory_space<vmem>>
        %dma_wait3A_291 = tpu.memref_squeeze %dma_wait3A_290 : memref<1x2x128xi32, #tpu.memory_space<vmem>> -> memref<2x128xi32, #tpu.memory_space<vmem>>
        %dma_wait3A_292 = arith.constant 0 : i32
        %dma_wait3A_293 = tpu.memref_slice %arg3[%dma_wait3A_292, %mul3A_4] : memref<2x320000xi32, #tpu.memory_space<hbm>> -> memref<2x128xi32, #tpu.memory_space<hbm>>
        tpu.wait_dma2 semaphore(%arg10 : memref<!tpu.dma_semaphore, #tpu.memory_space<semaphore_mem>>) src(%dma_wait3A_293 : memref<2x128xi32, #tpu.memory_space<hbm>>) dst(%dma_wait3A_291 : memref<2x128xi32, #tpu.memory_space<vmem>>)
        %dma_start3A_294 = arith.constant 0 : i32
        %dma_start3A_295 = arith.constant 0 : i32
        %dma_start3A_296 = arith.constant 0 : i32
        %dma_start3A_297 = arith.constant 0 : i32
        %dma_start3A_298 = arith.constant 0 : i32
        %dma_start3A_299 = tpu.memref_slice %arg8[%dma_start3A_296, %dma_start3A_297, %dma_start3A_298] : memref<2x128x128xf32, #tpu.memory_space<vmem>> -> memref<1x128x128xf32, #tpu.memory_space<vmem>>
        %dma_start3A_300 = tpu.memref_squeeze %dma_start3A_299 : memref<1x128x128xf32, #tpu.memory_space<vmem>> -> memref<128x128xf32, #tpu.memory_space<vmem>>
        %dma_start3A_301 = arith.constant 0 : i32
        %dma_start3A_302 = tpu.memref_slice %arg6[%dma_start3A_294, %dma_start3A_295, %dma_start3A_301] : memref<2x2x128xi32, #tpu.memory_space<vmem>> -> memref<1x1x128xi32, #tpu.memory_space<vmem>>
        %dma_start3A_303 = tpu.memref_squeeze %dma_start3A_302 : memref<1x1x128xi32, #tpu.memory_space<vmem>> -> memref<128xi32, #tpu.memory_space<vmem>>
        %dma_start3A_304 = arith.constant 0 : i32
        %dma_start3A_305 = arith.constant 0 : i32
        %dma_start3A_306 = tpu.memref_slice %arg2[%dma_start3A_304, %dma_start3A_305] : memref<10000x128xf32, #tpu.memory_space<hbm>> -> memref<10000x128xf32, #tpu.memory_space<hbm>>
        tpu.enqueue_indirect_dma source(%dma_start3A_306 : memref<10000x128xf32, #tpu.memory_space<hbm>>) target(%dma_start3A_300 : memref<128x128xf32, #tpu.memory_space<vmem>>) offsets(%dma_start3A_303 : memref<128xi32, #tpu.memory_space<vmem>>) semaphore(%arg14 : memref<!tpu.dma_semaphore, #tpu.memory_space<semaphore_mem>>)
      } else {
      }
      %mul3A_227 = arith.constant 2 : i32
      %mul3A_228 = arith.muli %add3A_173, %mul3A_227 : i32
      %add3A_229 = arith.constant 1 : i32
      %add3A_230 = arith.addi %mul3A_228, %add3A_229 : i32
      %dma_wait3A_231 = arith.constant 0 : i32
      %dma_wait3A_232 = arith.constant 0 : i32
      %dma_wait3A_233 = arith.constant 1 : i32
      %dma_wait3A_234 = arith.constant 0 : i32
      %dma_wait3A_235 = arith.constant 0 : i32
      %dma_wait3A_236 = tpu.memref_slice %arg8[%dma_wait3A_233, %dma_wait3A_234, %dma_wait3A_235] : memref<2x128x128xf32, #tpu.memory_space<vmem>> -> memref<1x128x128xf32, #tpu.memory_space<vmem>>
      %dma_wait3A_237 = tpu.memref_squeeze %dma_wait3A_236 : memref<1x128x128xf32, #tpu.memory_space<vmem>> -> memref<128x128xf32, #tpu.memory_space<vmem>>
      %dma_wait3A_238 = arith.constant 0 : i32
      %dma_wait3A_239 = tpu.memref_slice %arg6[%dma_wait3A_231, %dma_wait3A_232, %dma_wait3A_238] : memref<2x2x128xi32, #tpu.memory_space<vmem>> -> memref<1x1x128xi32, #tpu.memory_space<vmem>>
      %dma_wait3A_240 = tpu.memref_squeeze %dma_wait3A_239 : memref<1x1x128xi32, #tpu.memory_space<vmem>> -> memref<128xi32, #tpu.memory_space<vmem>>
      %dma_wait3A_241 = arith.constant 0 : i32
      %dma_wait3A_242 = arith.constant 0 : i32
      %dma_wait3A_243 = tpu.memref_slice %arg2[%dma_wait3A_241, %dma_wait3A_242] : memref<10000x128xf32, #tpu.memory_space<hbm>> -> memref<10000x128xf32, #tpu.memory_space<hbm>>
      tpu.wait_indirect_dma semaphore(%arg15 : memref<!tpu.dma_semaphore, #tpu.memory_space<semaphore_mem>>) src(%dma_wait3A_243 : memref<10000x128xf32, #tpu.memory_space<hbm>>) dst(%dma_wait3A_237 : memref<128x128xf32, #tpu.memory_space<vmem>>)
      %add3A_244 = arith.constant 2 : i32
      %add3A_245 = arith.addi %add3A_230, %add3A_244 : i32
      %lt3A_246 = arith.constant 78 : i32
      %lt3A_247 = arith.cmpi slt, %add3A_245, %lt3A_246 : i32
      %convert_element_type3A_248 = arith.extui %lt3A_247 : i1 to i32
      %cond3A_249 = arith.constant 0 : i32
      %cond3A_250 = arith.cmpi ne, %convert_element_type3A_248, %cond3A_249 : i32
      scf.if %cond3A_250 {
        %add3A_281 = arith.constant 2 : i32
        %add3A_282 = arith.addi %add3A_230, %add3A_281 : i32
        %mul3A_283 = arith.constant 128 : i32
        %mul3A_284 = arith.muli %add3A_282, %mul3A_283 : i32
        %add3A_285 = arith.addi %mul3A_4, %mul3A_284 : i32
        %dma_start3A_286 = arith.constant 1 : i32
        %dma_start3A_287 = arith.constant 0 : i32
        %dma_start3A_288 = arith.constant 0 : i32
        %dma_start3A_289 = tpu.memref_slice %arg6[%dma_start3A_286, %dma_start3A_287, %dma_start3A_288] : memref<2x2x128xi32, #tpu.memory_space<vmem>> -> memref<1x2x128xi32, #tpu.memory_space<vmem>>
        %dma_start3A_290 = tpu.memref_squeeze %dma_start3A_289 : memref<1x2x128xi32, #tpu.memory_space<vmem>> -> memref<2x128xi32, #tpu.memory_space<vmem>>
        %dma_start3A_291 = arith.constant 0 : i32
        %dma_start3A_292 = tpu.memref_slice %arg3[%dma_start3A_291, %add3A_285] : memref<2x320000xi32, #tpu.memory_space<hbm>> -> memref<2x128xi32, #tpu.memory_space<hbm>>
        %dma_start3A_293 = arith.constant 0 : i32
        %dma_start3A_294 = arith.constant 0 : i32
        %dma_start3A_295 = tpu.memref_slice %arg6[%dma_start3A_286, %dma_start3A_293, %dma_start3A_294] : memref<2x2x128xi32, #tpu.memory_space<vmem>> -> memref<1x2x128xi32, #tpu.memory_space<vmem>>
        %dma_start3A_296 = tpu.memref_squeeze %dma_start3A_295 : memref<1x2x128xi32, #tpu.memory_space<vmem>> -> memref<2x128xi32, #tpu.memory_space<vmem>>
        %dma_start3A_297 = arith.constant 0 : i32
        %dma_start3A_298 = tpu.memref_slice %arg3[%dma_start3A_297, %add3A_285] : memref<2x320000xi32, #tpu.memory_space<hbm>> -> memref<2x128xi32, #tpu.memory_space<hbm>>
        tpu.enqueue_dma source(%dma_start3A_298 : memref<2x128xi32, #tpu.memory_space<hbm>>) target(%dma_start3A_296 : memref<2x128xi32, #tpu.memory_space<vmem>>) target_semaphore(%arg11 : memref<!tpu.dma_semaphore, #tpu.memory_space<semaphore_mem>>)
      } else {
      }
      %dma_wait3A_251 = arith.constant 1 : i32
      %dma_wait3A_252 = arith.constant 0 : i32
      %dma_wait3A_253 = arith.constant 0 : i32
      %dma_wait3A_254 = tpu.memref_slice %arg7[%dma_wait3A_251, %dma_wait3A_252, %dma_wait3A_253] : memref<2x2x128xi32, #tpu.memory_space<vmem>> -> memref<1x2x128xi32, #tpu.memory_space<vmem>>
      %dma_wait3A_255 = tpu.memref_squeeze %dma_wait3A_254 : memref<1x2x128xi32, #tpu.memory_space<vmem>> -> memref<2x128xi32, #tpu.memory_space<vmem>>
      %dma_wait3A_256 = arith.constant 0 : i32
      %dma_wait3A_257 = tpu.memref_slice %arg3[%dma_wait3A_256, %mul3A_4] : memref<2x320000xi32, #tpu.memory_space<hbm>> -> memref<2x128xi32, #tpu.memory_space<hbm>>
      %dma_wait3A_258 = arith.constant 0 : i32
      %dma_wait3A_259 = arith.constant 0 : i32
      %dma_wait3A_260 = tpu.memref_slice %arg7[%dma_wait3A_251, %dma_wait3A_258, %dma_wait3A_259] : memref<2x2x128xi32, #tpu.memory_space<vmem>> -> memref<1x2x128xi32, #tpu.memory_space<vmem>>
      %dma_wait3A_261 = tpu.memref_squeeze %dma_wait3A_260 : memref<1x2x128xi32, #tpu.memory_space<vmem>> -> memref<2x128xi32, #tpu.memory_space<vmem>>
      %dma_wait3A_262 = arith.constant 0 : i32
      %dma_wait3A_263 = tpu.memref_slice %arg3[%dma_wait3A_262, %mul3A_4] : memref<2x320000xi32, #tpu.memory_space<hbm>> -> memref<2x128xi32, #tpu.memory_space<hbm>>
      tpu.wait_dma2 semaphore(%arg13 : memref<!tpu.dma_semaphore, #tpu.memory_space<semaphore_mem>>) src(%dma_wait3A_263 : memref<2x128xi32, #tpu.memory_space<hbm>>) dst(%dma_wait3A_261 : memref<2x128xi32, #tpu.memory_space<vmem>>)
      %run_scoped3A_264 = arith.constant 1 : i32
      %run_scoped3A_265 = arith.constant 1 : i32
      %run_scoped3A_266 = arith.constant 1 : i32
      "tpu.region"() ({
        %run_scoped3A_281 = tpu.sem_alloc : memref<!tpu.dma_semaphore, #tpu.memory_space<semaphore_mem>>
        %dma_start3A_282 = arith.constant 0 : i32
        %dma_start3A_283 = arith.constant 0 : i32
        %dma_start3A_284 = tpu.memref_slice %arg8[%run_scoped3A_264, %dma_start3A_282, %dma_start3A_283] : memref<2x128x128xf32, #tpu.memory_space<vmem>> -> memref<1x128x128xf32, #tpu.memory_space<vmem>>
        %dma_start3A_285 = tpu.memref_squeeze %dma_start3A_284 : memref<1x128x128xf32, #tpu.memory_space<vmem>> -> memref<128x128xf32, #tpu.memory_space<vmem>>
        %dma_start3A_286 = arith.constant 0 : i32
        %dma_start3A_287 = tpu.memref_slice %arg7[%run_scoped3A_265, %run_scoped3A_266, %dma_start3A_286] : memref<2x2x128xi32, #tpu.memory_space<vmem>> -> memref<1x1x128xi32, #tpu.memory_space<vmem>>
        %dma_start3A_288 = tpu.memref_squeeze %dma_start3A_287 : memref<1x1x128xi32, #tpu.memory_space<vmem>> -> memref<128xi32, #tpu.memory_space<vmem>>
        %dma_start3A_289 = arith.constant 0 : i32
        %dma_start3A_290 = arith.constant 0 : i32
        %dma_start3A_291 = tpu.memref_slice %arg5[%dma_start3A_289, %dma_start3A_290] : memref<10240x128xf32, #tpu.memory_space<vmem_shared>> -> memref<10240x128xf32, #tpu.memory_space<vmem_shared>>
        tpu.enqueue_indirect_dma source(%dma_start3A_285 : memref<128x128xf32, #tpu.memory_space<vmem>>) target(%dma_start3A_291 : memref<10240x128xf32, #tpu.memory_space<vmem_shared>>) offsets(%dma_start3A_288 : memref<128xi32, #tpu.memory_space<vmem>>) semaphore(%run_scoped3A_281 : memref<!tpu.dma_semaphore, #tpu.memory_space<semaphore_mem>>) {add = true}
        %dma_wait3A_292 = arith.constant 0 : i32
        %dma_wait3A_293 = arith.constant 0 : i32
        %dma_wait3A_294 = tpu.memref_slice %arg8[%run_scoped3A_264, %dma_wait3A_292, %dma_wait3A_293] : memref<2x128x128xf32, #tpu.memory_space<vmem>> -> memref<1x128x128xf32, #tpu.memory_space<vmem>>
        %dma_wait3A_295 = tpu.memref_squeeze %dma_wait3A_294 : memref<1x128x128xf32, #tpu.memory_space<vmem>> -> memref<128x128xf32, #tpu.memory_space<vmem>>
        %dma_wait3A_296 = arith.constant 0 : i32
        %dma_wait3A_297 = tpu.memref_slice %arg7[%run_scoped3A_265, %run_scoped3A_266, %dma_wait3A_296] : memref<2x2x128xi32, #tpu.memory_space<vmem>> -> memref<1x1x128xi32, #tpu.memory_space<vmem>>
        %dma_wait3A_298 = tpu.memref_squeeze %dma_wait3A_297 : memref<1x1x128xi32, #tpu.memory_space<vmem>> -> memref<128xi32, #tpu.memory_space<vmem>>
        %dma_wait3A_299 = arith.constant 0 : i32
        %dma_wait3A_300 = arith.constant 0 : i32
        %dma_wait3A_301 = tpu.memref_slice %arg5[%dma_wait3A_299, %dma_wait3A_300] : memref<10240x128xf32, #tpu.memory_space<vmem_shared>> -> memref<10240x128xf32, #tpu.memory_space<vmem_shared>>
        tpu.wait_indirect_dma semaphore(%run_scoped3A_281 : memref<!tpu.dma_semaphore, #tpu.memory_space<semaphore_mem>>) src(%dma_wait3A_295 : memref<128x128xf32, #tpu.memory_space<vmem>>) dst(%dma_wait3A_301 : memref<10240x128xf32, #tpu.memory_space<vmem_shared>>)
        tpu.yield
      }) : () -> ()
      %add3A_267 = arith.constant 2 : i32
      %add3A_268 = arith.addi %add3A_230, %add3A_267 : i32
      %lt3A_269 = arith.constant 78 : i32
      %lt3A_270 = arith.cmpi slt, %add3A_268, %lt3A_269 : i32
      %convert_element_type3A_271 = arith.extui %lt3A_270 : i1 to i32
      %cond3A_272 = arith.constant 0 : i32
      %cond3A_273 = arith.cmpi ne, %convert_element_type3A_271, %cond3A_272 : i32
      scf.if %cond3A_273 {
        %add3A_281 = arith.constant 2 : i32
        %add3A_282 = arith.addi %add3A_230, %add3A_281 : i32
        %mul3A_283 = arith.constant 128 : i32
        %mul3A_284 = arith.muli %add3A_282, %mul3A_283 : i32
        %add3A_285 = arith.addi %mul3A_4, %mul3A_284 : i32
        %dma_start3A_286 = arith.constant 1 : i32
        %dma_start3A_287 = arith.constant 0 : i32
        %dma_start3A_288 = arith.constant 0 : i32
        %dma_start3A_289 = tpu.memref_slice %arg7[%dma_start3A_286, %dma_start3A_287, %dma_start3A_288] : memref<2x2x128xi32, #tpu.memory_space<vmem>> -> memref<1x2x128xi32, #tpu.memory_space<vmem>>
        %dma_start3A_290 = tpu.memref_squeeze %dma_start3A_289 : memref<1x2x128xi32, #tpu.memory_space<vmem>> -> memref<2x128xi32, #tpu.memory_space<vmem>>
        %dma_start3A_291 = arith.constant 0 : i32
        %dma_start3A_292 = tpu.memref_slice %arg3[%dma_start3A_291, %add3A_285] : memref<2x320000xi32, #tpu.memory_space<hbm>> -> memref<2x128xi32, #tpu.memory_space<hbm>>
        %dma_start3A_293 = arith.constant 0 : i32
        %dma_start3A_294 = arith.constant 0 : i32
        %dma_start3A_295 = tpu.memref_slice %arg7[%dma_start3A_286, %dma_start3A_293, %dma_start3A_294] : memref<2x2x128xi32, #tpu.memory_space<vmem>> -> memref<1x2x128xi32, #tpu.memory_space<vmem>>
        %dma_start3A_296 = tpu.memref_squeeze %dma_start3A_295 : memref<1x2x128xi32, #tpu.memory_space<vmem>> -> memref<2x128xi32, #tpu.memory_space<vmem>>
        %dma_start3A_297 = arith.constant 0 : i32
        %dma_start3A_298 = tpu.memref_slice %arg3[%dma_start3A_297, %add3A_285] : memref<2x320000xi32, #tpu.memory_space<hbm>> -> memref<2x128xi32, #tpu.memory_space<hbm>>
        tpu.enqueue_dma source(%dma_start3A_298 : memref<2x128xi32, #tpu.memory_space<hbm>>) target(%dma_start3A_296 : memref<2x128xi32, #tpu.memory_space<vmem>>) target_semaphore(%arg13 : memref<!tpu.dma_semaphore, #tpu.memory_space<semaphore_mem>>)
      } else {
      }
      %add3A_274 = arith.constant 2 : i32
      %add3A_275 = arith.addi %add3A_230, %add3A_274 : i32
      %lt3A_276 = arith.constant 78 : i32
      %lt3A_277 = arith.cmpi slt, %add3A_275, %lt3A_276 : i32
      %convert_element_type3A_278 = arith.extui %lt3A_277 : i1 to i32
      %cond3A_279 = arith.constant 0 : i32
      %cond3A_280 = arith.cmpi ne, %convert_element_type3A_278, %cond3A_279 : i32
      scf.if %cond3A_280 {
        %dma_wait3A_281 = arith.constant 1 : i32
        %dma_wait3A_282 = arith.constant 0 : i32
        %dma_wait3A_283 = arith.constant 0 : i32
        %dma_wait3A_284 = tpu.memref_slice %arg6[%dma_wait3A_281, %dma_wait3A_282, %dma_wait3A_283] : memref<2x2x128xi32, #tpu.memory_space<vmem>> -> memref<1x2x128xi32, #tpu.memory_space<vmem>>
        %dma_wait3A_285 = tpu.memref_squeeze %dma_wait3A_284 : memref<1x2x128xi32, #tpu.memory_space<vmem>> -> memref<2x128xi32, #tpu.memory_space<vmem>>
        %dma_wait3A_286 = arith.constant 0 : i32
        %dma_wait3A_287 = tpu.memref_slice %arg3[%dma_wait3A_286, %mul3A_4] : memref<2x320000xi32, #tpu.memory_space<hbm>> -> memref<2x128xi32, #tpu.memory_space<hbm>>
        %dma_wait3A_288 = arith.constant 0 : i32
        %dma_wait3A_289 = arith.constant 0 : i32
        %dma_wait3A_290 = tpu.memref_slice %arg6[%dma_wait3A_281, %dma_wait3A_288, %dma_wait3A_289] : memref<2x2x128xi32, #tpu.memory_space<vmem>> -> memref<1x2x128xi32, #tpu.memory_space<vmem>>
        %dma_wait3A_291 = tpu.memref_squeeze %dma_wait3A_290 : memref<1x2x128xi32, #tpu.memory_space<vmem>> -> memref<2x128xi32, #tpu.memory_space<vmem>>
        %dma_wait3A_292 = arith.constant 0 : i32
        %dma_wait3A_293 = tpu.memref_slice %arg3[%dma_wait3A_292, %mul3A_4] : memref<2x320000xi32, #tpu.memory_space<hbm>> -> memref<2x128xi32, #tpu.memory_space<hbm>>
        tpu.wait_dma2 semaphore(%arg11 : memref<!tpu.dma_semaphore, #tpu.memory_space<semaphore_mem>>) src(%dma_wait3A_293 : memref<2x128xi32, #tpu.memory_space<hbm>>) dst(%dma_wait3A_291 : memref<2x128xi32, #tpu.memory_space<vmem>>)
        %dma_start3A_294 = arith.constant 1 : i32
        %dma_start3A_295 = arith.constant 0 : i32
        %dma_start3A_296 = arith.constant 1 : i32
        %dma_start3A_297 = arith.constant 0 : i32
        %dma_start3A_298 = arith.constant 0 : i32
        %dma_start3A_299 = tpu.memref_slice %arg8[%dma_start3A_296, %dma_start3A_297, %dma_start3A_298] : memref<2x128x128xf32, #tpu.memory_space<vmem>> -> memref<1x128x128xf32, #tpu.memory_space<vmem>>
        %dma_start3A_300 = tpu.memref_squeeze %dma_start3A_299 : memref<1x128x128xf32, #tpu.memory_space<vmem>> -> memref<128x128xf32, #tpu.memory_space<vmem>>
        %dma_start3A_301 = arith.constant 0 : i32
        %dma_start3A_302 = tpu.memref_slice %arg6[%dma_start3A_294, %dma_start3A_295, %dma_start3A_301] : memref<2x2x128xi32, #tpu.memory_space<vmem>> -> memref<1x1x128xi32, #tpu.memory_space<vmem>>
        %dma_start3A_303 = tpu.memref_squeeze %dma_start3A_302 : memref<1x1x128xi32, #tpu.memory_space<vmem>> -> memref<128xi32, #tpu.memory_space<vmem>>
        %dma_start3A_304 = arith.constant 0 : i32
        %dma_start3A_305 = arith.constant 0 : i32
        %dma_start3A_306 = tpu.memref_slice %arg2[%dma_start3A_304, %dma_start3A_305] : memref<10000x128xf32, #tpu.memory_space<hbm>> -> memref<10000x128xf32, #tpu.memory_space<hbm>>
        tpu.enqueue_indirect_dma source(%dma_start3A_306 : memref<10000x128xf32, #tpu.memory_space<hbm>>) target(%dma_start3A_300 : memref<128x128xf32, #tpu.memory_space<vmem>>) offsets(%dma_start3A_303 : memref<128xi32, #tpu.memory_space<vmem>>) semaphore(%arg15 : memref<!tpu.dma_semaphore, #tpu.memory_space<semaphore_mem>>)
      } else {
      }
    }
    %scan3A_145 = arith.constant 39 : i32
    %lt3A = arith.constant 4 : i32
    %lt3A_146 = arith.cmpi slt, %add3A, %lt3A : i32
    %convert_element_type3A = arith.extui %lt3A_146 : i1 to i32
    %cond3A = arith.constant 0 : i32
    %cond3A_147 = arith.cmpi ne, %convert_element_type3A, %cond3A : i32
    scf.if %cond3A_147 {
      %add3A_169 = arith.constant 2496 : i32
      %add3A_170 = arith.addi %add3A_169, %add3A : i32
      %mul3A_171 = arith.constant 128 : i32
      %mul3A_172 = arith.muli %add3A_170, %mul3A_171 : i32
      %dma_start3A_173 = arith.constant 0 : i32
      %dma_start3A_174 = arith.constant 0 : i32
      %dma_start3A_175 = arith.constant 0 : i32
      %dma_start3A_176 = tpu.memref_slice %arg6[%dma_start3A_173, %dma_start3A_174, %dma_start3A_175] : memref<2x2x128xi32, #tpu.memory_space<vmem>> -> memref<1x2x128xi32, #tpu.memory_space<vmem>>
      %dma_start3A_177 = tpu.memref_squeeze %dma_start3A_176 : memref<1x2x128xi32, #tpu.memory_space<vmem>> -> memref<2x128xi32, #tpu.memory_space<vmem>>
      %dma_start3A_178 = arith.constant 0 : i32
      %dma_start3A_179 = tpu.memref_slice %arg3[%dma_start3A_178, %mul3A_172] : memref<2x320000xi32, #tpu.memory_space<hbm>> -> memref<2x128xi32, #tpu.memory_space<hbm>>
      %dma_start3A_180 = arith.constant 0 : i32
      %dma_start3A_181 = arith.constant 0 : i32
      %dma_start3A_182 = tpu.memref_slice %arg6[%dma_start3A_173, %dma_start3A_180, %dma_start3A_181] : memref<2x2x128xi32, #tpu.memory_space<vmem>> -> memref<1x2x128xi32, #tpu.memory_space<vmem>>
      %dma_start3A_183 = tpu.memref_squeeze %dma_start3A_182 : memref<1x2x128xi32, #tpu.memory_space<vmem>> -> memref<2x128xi32, #tpu.memory_space<vmem>>
      %dma_start3A_184 = arith.constant 0 : i32
      %dma_start3A_185 = tpu.memref_slice %arg3[%dma_start3A_184, %mul3A_172] : memref<2x320000xi32, #tpu.memory_space<hbm>> -> memref<2x128xi32, #tpu.memory_space<hbm>>
      tpu.enqueue_dma source(%dma_start3A_185 : memref<2x128xi32, #tpu.memory_space<hbm>>) target(%dma_start3A_183 : memref<2x128xi32, #tpu.memory_space<vmem>>) target_semaphore(%arg10 : memref<!tpu.dma_semaphore, #tpu.memory_space<semaphore_mem>>)
      %dma_wait3A_186 = arith.constant 0 : i32
      %dma_wait3A_187 = arith.constant 0 : i32
      %dma_wait3A_188 = arith.constant 0 : i32
      %dma_wait3A_189 = tpu.memref_slice %arg6[%dma_wait3A_186, %dma_wait3A_187, %dma_wait3A_188] : memref<2x2x128xi32, #tpu.memory_space<vmem>> -> memref<1x2x128xi32, #tpu.memory_space<vmem>>
      %dma_wait3A_190 = tpu.memref_squeeze %dma_wait3A_189 : memref<1x2x128xi32, #tpu.memory_space<vmem>> -> memref<2x128xi32, #tpu.memory_space<vmem>>
      %dma_wait3A_191 = arith.constant 0 : i32
      %dma_wait3A_192 = tpu.memref_slice %arg3[%dma_wait3A_191, %mul3A_172] : memref<2x320000xi32, #tpu.memory_space<hbm>> -> memref<2x128xi32, #tpu.memory_space<hbm>>
      %dma_wait3A_193 = arith.constant 0 : i32
      %dma_wait3A_194 = arith.constant 0 : i32
      %dma_wait3A_195 = tpu.memref_slice %arg6[%dma_wait3A_186, %dma_wait3A_193, %dma_wait3A_194] : memref<2x2x128xi32, #tpu.memory_space<vmem>> -> memref<1x2x128xi32, #tpu.memory_space<vmem>>
      %dma_wait3A_196 = tpu.memref_squeeze %dma_wait3A_195 : memref<1x2x128xi32, #tpu.memory_space<vmem>> -> memref<2x128xi32, #tpu.memory_space<vmem>>
      %dma_wait3A_197 = arith.constant 0 : i32
      %dma_wait3A_198 = tpu.memref_slice %arg3[%dma_wait3A_197, %mul3A_172] : memref<2x320000xi32, #tpu.memory_space<hbm>> -> memref<2x128xi32, #tpu.memory_space<hbm>>
      tpu.wait_dma2 semaphore(%arg10 : memref<!tpu.dma_semaphore, #tpu.memory_space<semaphore_mem>>) src(%dma_wait3A_198 : memref<2x128xi32, #tpu.memory_space<hbm>>) dst(%dma_wait3A_196 : memref<2x128xi32, #tpu.memory_space<vmem>>)
      %dma_start3A_199 = arith.constant 0 : i32
      %dma_start3A_200 = arith.constant 0 : i32
      %dma_start3A_201 = arith.constant 0 : i32
      %dma_start3A_202 = arith.constant 0 : i32
      %dma_start3A_203 = arith.constant 0 : i32
      %dma_start3A_204 = tpu.memref_slice %arg8[%dma_start3A_201, %dma_start3A_202, %dma_start3A_203] : memref<2x128x128xf32, #tpu.memory_space<vmem>> -> memref<1x128x128xf32, #tpu.memory_space<vmem>>
      %dma_start3A_205 = tpu.memref_squeeze %dma_start3A_204 : memref<1x128x128xf32, #tpu.memory_space<vmem>> -> memref<128x128xf32, #tpu.memory_space<vmem>>
      %dma_start3A_206 = arith.constant 0 : i32
      %dma_start3A_207 = tpu.memref_slice %arg6[%dma_start3A_199, %dma_start3A_200, %dma_start3A_206] : memref<2x2x128xi32, #tpu.memory_space<vmem>> -> memref<1x1x128xi32, #tpu.memory_space<vmem>>
      %dma_start3A_208 = tpu.memref_squeeze %dma_start3A_207 : memref<1x1x128xi32, #tpu.memory_space<vmem>> -> memref<128xi32, #tpu.memory_space<vmem>>
      %dma_start3A_209 = arith.constant 0 : i32
      %dma_start3A_210 = arith.constant 0 : i32
      %dma_start3A_211 = tpu.memref_slice %arg2[%dma_start3A_209, %dma_start3A_210] : memref<10000x128xf32, #tpu.memory_space<hbm>> -> memref<10000x128xf32, #tpu.memory_space<hbm>>
      tpu.enqueue_indirect_dma source(%dma_start3A_211 : memref<10000x128xf32, #tpu.memory_space<hbm>>) target(%dma_start3A_205 : memref<128x128xf32, #tpu.memory_space<vmem>>) offsets(%dma_start3A_208 : memref<128xi32, #tpu.memory_space<vmem>>) semaphore(%arg14 : memref<!tpu.dma_semaphore, #tpu.memory_space<semaphore_mem>>)
      %dma_wait3A_212 = arith.constant 0 : i32
      %dma_wait3A_213 = arith.constant 0 : i32
      %dma_wait3A_214 = arith.constant 0 : i32
      %dma_wait3A_215 = arith.constant 0 : i32
      %dma_wait3A_216 = arith.constant 0 : i32
      %dma_wait3A_217 = tpu.memref_slice %arg8[%dma_wait3A_214, %dma_wait3A_215, %dma_wait3A_216] : memref<2x128x128xf32, #tpu.memory_space<vmem>> -> memref<1x128x128xf32, #tpu.memory_space<vmem>>
      %dma_wait3A_218 = tpu.memref_squeeze %dma_wait3A_217 : memref<1x128x128xf32, #tpu.memory_space<vmem>> -> memref<128x128xf32, #tpu.memory_space<vmem>>
      %dma_wait3A_219 = arith.constant 0 : i32
      %dma_wait3A_220 = tpu.memref_slice %arg6[%dma_wait3A_212, %dma_wait3A_213, %dma_wait3A_219] : memref<2x2x128xi32, #tpu.memory_space<vmem>> -> memref<1x1x128xi32, #tpu.memory_space<vmem>>
      %dma_wait3A_221 = tpu.memref_squeeze %dma_wait3A_220 : memref<1x1x128xi32, #tpu.memory_space<vmem>> -> memref<128xi32, #tpu.memory_space<vmem>>
      %dma_wait3A_222 = arith.constant 0 : i32
      %dma_wait3A_223 = arith.constant 0 : i32
      %dma_wait3A_224 = tpu.memref_slice %arg2[%dma_wait3A_222, %dma_wait3A_223] : memref<10000x128xf32, #tpu.memory_space<hbm>> -> memref<10000x128xf32, #tpu.memory_space<hbm>>
      tpu.wait_indirect_dma semaphore(%arg14 : memref<!tpu.dma_semaphore, #tpu.memory_space<semaphore_mem>>) src(%dma_wait3A_224 : memref<10000x128xf32, #tpu.memory_space<hbm>>) dst(%dma_wait3A_218 : memref<128x128xf32, #tpu.memory_space<vmem>>)
      %run_scoped3A = arith.constant 0 : i32
      %run_scoped3A_225 = arith.constant 0 : i32
      %run_scoped3A_226 = arith.constant 1 : i32
      "tpu.region"() ({
        %run_scoped3A_227 = tpu.sem_alloc : memref<!tpu.dma_semaphore, #tpu.memory_space<semaphore_mem>>
        %dma_start3A_228 = arith.constant 0 : i32
        %dma_start3A_229 = arith.constant 0 : i32
        %dma_start3A_230 = tpu.memref_slice %arg8[%run_scoped3A, %dma_start3A_228, %dma_start3A_229] : memref<2x128x128xf32, #tpu.memory_space<vmem>> -> memref<1x128x128xf32, #tpu.memory_space<vmem>>
        %dma_start3A_231 = tpu.memref_squeeze %dma_start3A_230 : memref<1x128x128xf32, #tpu.memory_space<vmem>> -> memref<128x128xf32, #tpu.memory_space<vmem>>
        %dma_start3A_232 = arith.constant 0 : i32
        %dma_start3A_233 = tpu.memref_slice %arg6[%run_scoped3A_225, %run_scoped3A_226, %dma_start3A_232] : memref<2x2x128xi32, #tpu.memory_space<vmem>> -> memref<1x1x128xi32, #tpu.memory_space<vmem>>
        %dma_start3A_234 = tpu.memref_squeeze %dma_start3A_233 : memref<1x1x128xi32, #tpu.memory_space<vmem>> -> memref<128xi32, #tpu.memory_space<vmem>>
        %dma_start3A_235 = arith.constant 0 : i32
        %dma_start3A_236 = arith.constant 0 : i32
        %dma_start3A_237 = tpu.memref_slice %arg5[%dma_start3A_235, %dma_start3A_236] : memref<10240x128xf32, #tpu.memory_space<vmem_shared>> -> memref<10240x128xf32, #tpu.memory_space<vmem_shared>>
        tpu.enqueue_indirect_dma source(%dma_start3A_231 : memref<128x128xf32, #tpu.memory_space<vmem>>) target(%dma_start3A_237 : memref<10240x128xf32, #tpu.memory_space<vmem_shared>>) offsets(%dma_start3A_234 : memref<128xi32, #tpu.memory_space<vmem>>) semaphore(%run_scoped3A_227 : memref<!tpu.dma_semaphore, #tpu.memory_space<semaphore_mem>>) {add = true}
        %dma_wait3A_238 = arith.constant 0 : i32
        %dma_wait3A_239 = arith.constant 0 : i32
        %dma_wait3A_240 = tpu.memref_slice %arg8[%run_scoped3A, %dma_wait3A_238, %dma_wait3A_239] : memref<2x128x128xf32, #tpu.memory_space<vmem>> -> memref<1x128x128xf32, #tpu.memory_space<vmem>>
        %dma_wait3A_241 = tpu.memref_squeeze %dma_wait3A_240 : memref<1x128x128xf32, #tpu.memory_space<vmem>> -> memref<128x128xf32, #tpu.memory_space<vmem>>
        %dma_wait3A_242 = arith.constant 0 : i32
        %dma_wait3A_243 = tpu.memref_slice %arg6[%run_scoped3A_225, %run_scoped3A_226, %dma_wait3A_242] : memref<2x2x128xi32, #tpu.memory_space<vmem>> -> memref<1x1x128xi32, #tpu.memory_space<vmem>>
        %dma_wait3A_244 = tpu.memref_squeeze %dma_wait3A_243 : memref<1x1x128xi32, #tpu.memory_space<vmem>> -> memref<128xi32, #tpu.memory_space<vmem>>
        %dma_wait3A_245 = arith.constant 0 : i32
        %dma_wait3A_246 = arith.constant 0 : i32
        %dma_wait3A_247 = tpu.memref_slice %arg5[%dma_wait3A_245, %dma_wait3A_246] : memref<10240x128xf32, #tpu.memory_space<vmem_shared>> -> memref<10240x128xf32, #tpu.memory_space<vmem_shared>>
        tpu.wait_indirect_dma semaphore(%run_scoped3A_227 : memref<!tpu.dma_semaphore, #tpu.memory_space<semaphore_mem>>) src(%dma_wait3A_241 : memref<128x128xf32, #tpu.memory_space<vmem>>) dst(%dma_wait3A_247 : memref<10240x128xf32, #tpu.memory_space<vmem_shared>>)
        tpu.yield
      }) : () -> ()
    } else {
    }
    %barrier3A_148 = arith.constant 0 : index
    tpu.barrier barrier_id(%barrier3A_148)
    %add3A_149 = arith.constant 0 : i32
    %add3A_150 = arith.addi %mul3A_6, %add3A_149 : i32
    %add3A_151 = arith.constant 0 : i32
    %add3A_152 = arith.addi %mul3A_6, %add3A_151 : i32
    "tpu.region"() ({
      %run_scoped3A = tpu.sem_alloc : memref<!tpu.dma_semaphore, #tpu.memory_space<semaphore_mem>>
      %dma_start3A_169 = arith.constant 0 : i32
      %dma_start3A_170 = tpu.memref_slice %arg4[%arg0, %add3A_152, %dma_start3A_169] : memref<2x10240x128xf32, #tpu.memory_space<hbm>> -> memref<1x128x128xf32, #tpu.memory_space<hbm>>
      %dma_start3A_171 = tpu.memref_squeeze %dma_start3A_170 : memref<1x128x128xf32, #tpu.memory_space<hbm>> -> memref<128x128xf32, #tpu.memory_space<hbm>>
      %dma_start3A_172 = arith.constant 0 : i32
      %dma_start3A_173 = tpu.memref_slice %arg5[%add3A_150, %dma_start3A_172] : memref<10240x128xf32, #tpu.memory_space<vmem_shared>> -> memref<128x128xf32, #tpu.memory_space<vmem_shared>>
      tpu.enqueue_dma source(%dma_start3A_173 : memref<128x128xf32, #tpu.memory_space<vmem_shared>>) target(%dma_start3A_171 : memref<128x128xf32, #tpu.memory_space<hbm>>) target_semaphore(%run_scoped3A : memref<!tpu.dma_semaphore, #tpu.memory_space<semaphore_mem>>)
      %dma_wait3A_174 = arith.constant 0 : i32
      %dma_wait3A_175 = tpu.memref_slice %arg4[%arg0, %add3A_152, %dma_wait3A_174] : memref<2x10240x128xf32, #tpu.memory_space<hbm>> -> memref<1x128x128xf32, #tpu.memory_space<hbm>>
      %dma_wait3A_176 = tpu.memref_squeeze %dma_wait3A_175 : memref<1x128x128xf32, #tpu.memory_space<hbm>> -> memref<128x128xf32, #tpu.memory_space<hbm>>
      %dma_wait3A_177 = arith.constant 0 : i32
      %dma_wait3A_178 = tpu.memref_slice %arg5[%add3A_150, %dma_wait3A_177] : memref<10240x128xf32, #tpu.memory_space<vmem_shared>> -> memref<128x128xf32, #tpu.memory_space<vmem_shared>>
      tpu.wait_dma2 semaphore(%run_scoped3A : memref<!tpu.dma_semaphore, #tpu.memory_space<semaphore_mem>>) src(%dma_wait3A_178 : memref<128x128xf32, #tpu.memory_space<vmem_shared>>) dst(%dma_wait3A_176 : memref<128x128xf32, #tpu.memory_space<hbm>>)
      tpu.yield
    }) : () -> ()
    %add3A_153 = arith.constant 128 : i32
    %add3A_154 = arith.addi %mul3A_6, %add3A_153 : i32
    %add3A_155 = arith.constant 128 : i32
    %add3A_156 = arith.addi %mul3A_6, %add3A_155 : i32
    "tpu.region"() ({
      %run_scoped3A = tpu.sem_alloc : memref<!tpu.dma_semaphore, #tpu.memory_space<semaphore_mem>>
      %dma_start3A_169 = arith.constant 0 : i32
      %dma_start3A_170 = tpu.memref_slice %arg4[%arg0, %add3A_156, %dma_start3A_169] : memref<2x10240x128xf32, #tpu.memory_space<hbm>> -> memref<1x128x128xf32, #tpu.memory_space<hbm>>
      %dma_start3A_171 = tpu.memref_squeeze %dma_start3A_170 : memref<1x128x128xf32, #tpu.memory_space<hbm>> -> memref<128x128xf32, #tpu.memory_space<hbm>>
      %dma_start3A_172 = arith.constant 0 : i32
      %dma_start3A_173 = tpu.memref_slice %arg5[%add3A_154, %dma_start3A_172] : memref<10240x128xf32, #tpu.memory_space<vmem_shared>> -> memref<128x128xf32, #tpu.memory_space<vmem_shared>>
      tpu.enqueue_dma source(%dma_start3A_173 : memref<128x128xf32, #tpu.memory_space<vmem_shared>>) target(%dma_start3A_171 : memref<128x128xf32, #tpu.memory_space<hbm>>) target_semaphore(%run_scoped3A : memref<!tpu.dma_semaphore, #tpu.memory_space<semaphore_mem>>)
      %dma_wait3A_174 = arith.constant 0 : i32
      %dma_wait3A_175 = tpu.memref_slice %arg4[%arg0, %add3A_156, %dma_wait3A_174] : memref<2x10240x128xf32, #tpu.memory_space<hbm>> -> memref<1x128x128xf32, #tpu.memory_space<hbm>>
      %dma_wait3A_176 = tpu.memref_squeeze %dma_wait3A_175 : memref<1x128x128xf32, #tpu.memory_space<hbm>> -> memref<128x128xf32, #tpu.memory_space<hbm>>
      %dma_wait3A_177 = arith.constant 0 : i32
      %dma_wait3A_178 = tpu.memref_slice %arg5[%add3A_154, %dma_wait3A_177] : memref<10240x128xf32, #tpu.memory_space<vmem_shared>> -> memref<128x128xf32, #tpu.memory_space<vmem_shared>>
      tpu.wait_dma2 semaphore(%run_scoped3A : memref<!tpu.dma_semaphore, #tpu.memory_space<semaphore_mem>>) src(%dma_wait3A_178 : memref<128x128xf32, #tpu.memory_space<vmem_shared>>) dst(%dma_wait3A_176 : memref<128x128xf32, #tpu.memory_space<hbm>>)
      tpu.yield
    }) : () -> ()
    %add3A_157 = arith.constant 256 : i32
    %add3A_158 = arith.addi %mul3A_6, %add3A_157 : i32
    %add3A_159 = arith.constant 256 : i32
    %add3A_160 = arith.addi %mul3A_6, %add3A_159 : i32
    "tpu.region"() ({
      %run_scoped3A = tpu.sem_alloc : memref<!tpu.dma_semaphore, #tpu.memory_space<semaphore_mem>>
      %dma_start3A_169 = arith.constant 0 : i32
      %dma_start3A_170 = tpu.memref_slice %arg4[%arg0, %add3A_160, %dma_start3A_169] : memref<2x10240x128xf32, #tpu.memory_space<hbm>> -> memref<1x128x128xf32, #tpu.memory_space<hbm>>
      %dma_start3A_171 = tpu.memref_squeeze %dma_start3A_170 : memref<1x128x128xf32, #tpu.memory_space<hbm>> -> memref<128x128xf32, #tpu.memory_space<hbm>>
      %dma_start3A_172 = arith.constant 0 : i32
      %dma_start3A_173 = tpu.memref_slice %arg5[%add3A_158, %dma_start3A_172] : memref<10240x128xf32, #tpu.memory_space<vmem_shared>> -> memref<128x128xf32, #tpu.memory_space<vmem_shared>>
      tpu.enqueue_dma source(%dma_start3A_173 : memref<128x128xf32, #tpu.memory_space<vmem_shared>>) target(%dma_start3A_171 : memref<128x128xf32, #tpu.memory_space<hbm>>) target_semaphore(%run_scoped3A : memref<!tpu.dma_semaphore, #tpu.memory_space<semaphore_mem>>)
      %dma_wait3A_174 = arith.constant 0 : i32
      %dma_wait3A_175 = tpu.memref_slice %arg4[%arg0, %add3A_160, %dma_wait3A_174] : memref<2x10240x128xf32, #tpu.memory_space<hbm>> -> memref<1x128x128xf32, #tpu.memory_space<hbm>>
      %dma_wait3A_176 = tpu.memref_squeeze %dma_wait3A_175 : memref<1x128x128xf32, #tpu.memory_space<hbm>> -> memref<128x128xf32, #tpu.memory_space<hbm>>
      %dma_wait3A_177 = arith.constant 0 : i32
      %dma_wait3A_178 = tpu.memref_slice %arg5[%add3A_158, %dma_wait3A_177] : memref<10240x128xf32, #tpu.memory_space<vmem_shared>> -> memref<128x128xf32, #tpu.memory_space<vmem_shared>>
      tpu.wait_dma2 semaphore(%run_scoped3A : memref<!tpu.dma_semaphore, #tpu.memory_space<semaphore_mem>>) src(%dma_wait3A_178 : memref<128x128xf32, #tpu.memory_space<vmem_shared>>) dst(%dma_wait3A_176 : memref<128x128xf32, #tpu.memory_space<hbm>>)
      tpu.yield
    }) : () -> ()
    %add3A_161 = arith.constant 384 : i32
    %add3A_162 = arith.addi %mul3A_6, %add3A_161 : i32
    %add3A_163 = arith.constant 384 : i32
    %add3A_164 = arith.addi %mul3A_6, %add3A_163 : i32
    "tpu.region"() ({
      %run_scoped3A = tpu.sem_alloc : memref<!tpu.dma_semaphore, #tpu.memory_space<semaphore_mem>>
      %dma_start3A_169 = arith.constant 0 : i32
      %dma_start3A_170 = tpu.memref_slice %arg4[%arg0, %add3A_164, %dma_start3A_169] : memref<2x10240x128xf32, #tpu.memory_space<hbm>> -> memref<1x128x128xf32, #tpu.memory_space<hbm>>
      %dma_start3A_171 = tpu.memref_squeeze %dma_start3A_170 : memref<1x128x128xf32, #tpu.memory_space<hbm>> -> memref<128x128xf32, #tpu.memory_space<hbm>>
      %dma_start3A_172 = arith.constant 0 : i32
      %dma_start3A_173 = tpu.memref_slice %arg5[%add3A_162, %dma_start3A_172] : memref<10240x128xf32, #tpu.memory_space<vmem_shared>> -> memref<128x128xf32, #tpu.memory_space<vmem_shared>>
      tpu.enqueue_dma source(%dma_start3A_173 : memref<128x128xf32, #tpu.memory_space<vmem_shared>>) target(%dma_start3A_171 : memref<128x128xf32, #tpu.memory_space<hbm>>) target_semaphore(%run_scoped3A : memref<!tpu.dma_semaphore, #tpu.memory_space<semaphore_mem>>)
      %dma_wait3A_174 = arith.constant 0 : i32
      %dma_wait3A_175 = tpu.memref_slice %arg4[%arg0, %add3A_164, %dma_wait3A_174] : memref<2x10240x128xf32, #tpu.memory_space<hbm>> -> memref<1x128x128xf32, #tpu.memory_space<hbm>>
      %dma_wait3A_176 = tpu.memref_squeeze %dma_wait3A_175 : memref<1x128x128xf32, #tpu.memory_space<hbm>> -> memref<128x128xf32, #tpu.memory_space<hbm>>
      %dma_wait3A_177 = arith.constant 0 : i32
      %dma_wait3A_178 = tpu.memref_slice %arg5[%add3A_162, %dma_wait3A_177] : memref<10240x128xf32, #tpu.memory_space<vmem_shared>> -> memref<128x128xf32, #tpu.memory_space<vmem_shared>>
      tpu.wait_dma2 semaphore(%run_scoped3A : memref<!tpu.dma_semaphore, #tpu.memory_space<semaphore_mem>>) src(%dma_wait3A_178 : memref<128x128xf32, #tpu.memory_space<vmem_shared>>) dst(%dma_wait3A_176 : memref<128x128xf32, #tpu.memory_space<hbm>>)
      tpu.yield
    }) : () -> ()
    %add3A_165 = arith.constant 512 : i32
    %add3A_166 = arith.addi %mul3A_6, %add3A_165 : i32
    %add3A_167 = arith.constant 512 : i32
    %add3A_168 = arith.addi %mul3A_6, %add3A_167 : i32
    "tpu.region"() ({
      %run_scoped3A = tpu.sem_alloc : memref<!tpu.dma_semaphore, #tpu.memory_space<semaphore_mem>>
      %dma_start3A_169 = arith.constant 0 : i32
      %dma_start3A_170 = tpu.memref_slice %arg4[%arg0, %add3A_168, %dma_start3A_169] : memref<2x10240x128xf32, #tpu.memory_space<hbm>> -> memref<1x128x128xf32, #tpu.memory_space<hbm>>
      %dma_start3A_171 = tpu.memref_squeeze %dma_start3A_170 : memref<1x128x128xf32, #tpu.memory_space<hbm>> -> memref<128x128xf32, #tpu.memory_space<hbm>>
      %dma_start3A_172 = arith.constant 0 : i32
      %dma_start3A_173 = tpu.memref_slice %arg5[%add3A_166, %dma_start3A_172] : memref<10240x128xf32, #tpu.memory_space<vmem_shared>> -> memref<128x128xf32, #tpu.memory_space<vmem_shared>>
      tpu.enqueue_dma source(%dma_start3A_173 : memref<128x128xf32, #tpu.memory_space<vmem_shared>>) target(%dma_start3A_171 : memref<128x128xf32, #tpu.memory_space<hbm>>) target_semaphore(%run_scoped3A : memref<!tpu.dma_semaphore, #tpu.memory_space<semaphore_mem>>)
      %dma_wait3A_174 = arith.constant 0 : i32
      %dma_wait3A_175 = tpu.memref_slice %arg4[%arg0, %add3A_168, %dma_wait3A_174] : memref<2x10240x128xf32, #tpu.memory_space<hbm>> -> memref<1x128x128xf32, #tpu.memory_space<hbm>>
      %dma_wait3A_176 = tpu.memref_squeeze %dma_wait3A_175 : memref<1x128x128xf32, #tpu.memory_space<hbm>> -> memref<128x128xf32, #tpu.memory_space<hbm>>
      %dma_wait3A_177 = arith.constant 0 : i32
      %dma_wait3A_178 = tpu.memref_slice %arg5[%add3A_166, %dma_wait3A_177] : memref<10240x128xf32, #tpu.memory_space<vmem_shared>> -> memref<128x128xf32, #tpu.memory_space<vmem_shared>>
      tpu.wait_dma2 semaphore(%run_scoped3A : memref<!tpu.dma_semaphore, #tpu.memory_space<semaphore_mem>>) src(%dma_wait3A_178 : memref<128x128xf32, #tpu.memory_space<vmem_shared>>) dst(%dma_wait3A_176 : memref<128x128xf32, #tpu.memory_space<hbm>>)
      tpu.yield
    }) : () -> ()
    return
  }
}

module attributes {stable_mosaic.version = 14 : i64} {
  func.func @_scale_body(%arg0: i32, %arg1: memref<1024x128xf32, #tpu.memory_space<vmem>>, %arg2: memref<128x128xf32, #tpu.memory_space<vmem>>, %arg3: memref<2x1024xf32, #tpu.memory_space<vmem>>, %arg4: memref<1024x128xf32, #tpu.memory_space<vmem>>) attributes {dimension_semantics = [#tpu.dimension_semantics<arbitrary>], iteration_bounds = array<i64: 10>, scalar_prefetch = 0 : i64, scratch_operands = 0 : i64, tpu.core_type = #tpu.core_type<tc>, window_params = [{transform_indices = @transform_0, window_bounds = array<i64: 1024, 128>}, {pipeline_mode = #tpu.pipeline_mode<synchronous>, transform_indices = @transform_1, window_bounds = array<i64: 128, 128>}, {transform_indices = @transform_2, window_bounds = array<i64: 2, 1024>}, {transform_indices = @transform_3, window_bounds = array<i64: 1024, 128>}]} {
    %get3A = arith.constant 0 : index
    %get3A_0 = arith.constant 0 : index
    %get3A_1 = vector.load %arg3[%get3A, %get3A_0] : memref<2x1024xf32, #tpu.memory_space<vmem>>, vector<1x1024xf32>
    %get3A_2 = vector.shape_cast %get3A_1 : vector<1x1024xf32> to vector<1024xf32>
    %get3A_3 = arith.constant 1 : index
    %get3A_4 = arith.constant 0 : index
    %get3A_5 = vector.load %arg3[%get3A_3, %get3A_4] : memref<2x1024xf32, #tpu.memory_space<vmem>>, vector<1x1024xf32>
    %get3A_6 = vector.shape_cast %get3A_5 : vector<1x1024xf32> to vector<1024xf32>
    %add3A = arith.addf %get3A_2, %get3A_6 : vector<1024xf32>
    %add3A_7 = arith.constant 1.000000e+00 : f32
    %add3A_8 = vector.broadcast %add3A_7 : f32 to vector<1024xf32>
    %add3A_9 = arith.addf %add3A, %add3A_8 : vector<1024xf32>
    %rsqrt3A = math.rsqrt %add3A_9 : vector<1024xf32>
    %get3A_10 = arith.constant 0 : index
    %get3A_11 = arith.constant 0 : index
    %get3A_12 = vector.load %arg1[%get3A_10, %get3A_11] : memref<1024x128xf32, #tpu.memory_space<vmem>>, vector<1024x128xf32>
    %get3A_13 = arith.constant 0 : index
    %get3A_14 = arith.constant 0 : index
    %get3A_15 = vector.load %arg2[%get3A_13, %get3A_14] : memref<128x128xf32, #tpu.memory_space<vmem>>, vector<128x128xf32>
    %dot_general3A = arith.constant dense<0.000000e+00> : vector<1024x128xf32>
    %dot_general3A_16 = tpu.matmul %get3A_12, %get3A_15, %dot_general3A {dimension_numbers = #tpu.dot_dimension_numbers<[1], [0], [0], [1], [0, 0, 1, 1], [], []>, transpose_lhs_hint = false} : vector<1024x128xf32>, vector<128x128xf32>, vector<1024x128xf32> -> vector<1024x128xf32>
    %broadcast_in_dim3A = vector.shape_cast %rsqrt3A : vector<1024xf32> to vector<1024x1xf32>
    %mul3A = vector.broadcast %broadcast_in_dim3A : vector<1024x1xf32> to vector<1024x128xf32>
    %mul3A_17 = arith.mulf %dot_general3A_16, %mul3A : vector<1024x128xf32>
    %swap3A = arith.constant 0 : index
    %swap3A_18 = arith.constant 0 : index
    %swap3A_19 = vector.load %arg4[%swap3A, %swap3A_18] : memref<1024x128xf32, #tpu.memory_space<vmem>>, vector<1024x128xf32>
    tpu.vector_store %arg4[%swap3A, %swap3A_18], %mul3A_17 {strides = array<i32>} : memref<1024x128xf32, #tpu.memory_space<vmem>>, vector<1024x128xf32>,
    return
  }
  func.func @transform_0(%arg0: i32) -> (i32, i32) {
    %c0_i32 = arith.constant 0 : i32
    %c0_i32_0 = arith.constant 0 : i32
    return %arg0, %c0_i32 : i32, i32
  }
  func.func @transform_1(%arg0: i32) -> (i32, i32) {
    %c0_i32 = arith.constant 0 : i32
    %c0_i32_0 = arith.constant 0 : i32
    %c0_i32_1 = arith.constant 0 : i32
    return %c0_i32, %c0_i32_0 : i32, i32
  }
  func.func @transform_2(%arg0: i32) -> (i32, i32) {
    %c0_i32 = arith.constant 0 : i32
    %c0_i32_0 = arith.constant 0 : i32
    return %c0_i32, %arg0 : i32, i32
  }
  func.func @transform_3(%arg0: i32) -> (i32, i32) {
    %c0_i32 = arith.constant 0 : i32
    %c0_i32_0 = arith.constant 0 : i32
    return %arg0, %c0_i32 : i32, i32
  }
}

module attributes {stable_mosaic.version = 14 : i64} {
  func.func @_final_body(%arg0: i32, %arg1: memref<1024x128xf32, #tpu.memory_space<vmem>>, %arg2: memref<1024x128xf32, #tpu.memory_space<vmem>>, %arg3: memref<2x1024x128xf32, #tpu.memory_space<vmem>>, %arg4: memref<2x1024xf32, #tpu.memory_space<vmem>>, %arg5: memref<128xf32, #tpu.memory_space<vmem>>, %arg6: memref<1024x128xf32, #tpu.memory_space<vmem>>) attributes {dimension_semantics = [#tpu.dimension_semantics<arbitrary>], iteration_bounds = array<i64: 10>, scalar_prefetch = 0 : i64, scratch_operands = 0 : i64, tpu.core_type = #tpu.core_type<tc>, window_params = [{transform_indices = @transform_0, window_bounds = array<i64: 1024, 128>}, {transform_indices = @transform_1, window_bounds = array<i64: 1024, 128>}, {transform_indices = @transform_2, window_bounds = array<i64: 2, 1024, 128>}, {transform_indices = @transform_3, window_bounds = array<i64: 2, 1024>}, {pipeline_mode = #tpu.pipeline_mode<synchronous>, transform_indices = @transform_4, window_bounds = array<i64: 128>}, {transform_indices = @transform_5, window_bounds = array<i64: 1024, 128>}]} {
    %get3A = arith.constant 0 : index
    %get3A_0 = arith.constant 0 : index
    %get3A_1 = vector.load %arg4[%get3A, %get3A_0] : memref<2x1024xf32, #tpu.memory_space<vmem>>, vector<1x1024xf32>
    %get3A_2 = vector.shape_cast %get3A_1 : vector<1x1024xf32> to vector<1024xf32>
    %get3A_3 = arith.constant 1 : index
    %get3A_4 = arith.constant 0 : index
    %get3A_5 = vector.load %arg4[%get3A_3, %get3A_4] : memref<2x1024xf32, #tpu.memory_space<vmem>>, vector<1x1024xf32>
    %get3A_6 = vector.shape_cast %get3A_5 : vector<1x1024xf32> to vector<1024xf32>
    %add3A = arith.addf %get3A_2, %get3A_6 : vector<1024xf32>
    %add3A_7 = arith.constant 1.000000e+00 : f32
    %add3A_8 = vector.broadcast %add3A_7 : f32 to vector<1024xf32>
    %add3A_9 = arith.addf %add3A, %add3A_8 : vector<1024xf32>
    %rsqrt3A = math.rsqrt %add3A_9 : vector<1024xf32>
    %get3A_10 = arith.constant 0 : index
    %get3A_11 = arith.constant 0 : index
    %get3A_12 = arith.constant 0 : index
    %get3A_13 = vector.load %arg3[%get3A_10, %get3A_11, %get3A_12] : memref<2x1024x128xf32, #tpu.memory_space<vmem>>, vector<1x1024x128xf32>
    %get3A_14 = vector.shape_cast %get3A_13 : vector<1x1024x128xf32> to vector<1024x128xf32>
    %get3A_15 = arith.constant 1 : index
    %get3A_16 = arith.constant 0 : index
    %get3A_17 = arith.constant 0 : index
    %get3A_18 = vector.load %arg3[%get3A_15, %get3A_16, %get3A_17] : memref<2x1024x128xf32, #tpu.memory_space<vmem>>, vector<1x1024x128xf32>
    %get3A_19 = vector.shape_cast %get3A_18 : vector<1x1024x128xf32> to vector<1024x128xf32>
    %add3A_20 = arith.addf %get3A_14, %get3A_19 : vector<1024x128xf32>
    %get3A_21 = arith.constant 0 : index
    %get3A_22 = arith.constant 0 : index
    %get3A_23 = vector.load %arg2[%get3A_21, %get3A_22] : memref<1024x128xf32, #tpu.memory_space<vmem>>, vector<1024x128xf32>
    %add3A_24 = arith.addf %add3A_20, %get3A_23 : vector<1024x128xf32>
    %broadcast_in_dim3A = vector.shape_cast %rsqrt3A : vector<1024xf32> to vector<1024x1xf32>
    %mul3A = vector.broadcast %broadcast_in_dim3A : vector<1024x1xf32> to vector<1024x128xf32>
    %mul3A_25 = arith.mulf %add3A_24, %mul3A : vector<1024x128xf32>
    %get3A_26 = arith.constant 0 : index
    %get3A_27 = vector.load %arg5[%get3A_26] : memref<128xf32, #tpu.memory_space<vmem>>, vector<128xf32>
    %broadcast_in_dim3A_28 = vector.shape_cast %get3A_27 : vector<128xf32> to vector<1x128xf32>
    %add3A_29 = vector.broadcast %broadcast_in_dim3A_28 : vector<1x128xf32> to vector<1024x128xf32>
    %add3A_30 = arith.addf %mul3A_25, %add3A_29 : vector<1024x128xf32>
    %get3A_31 = arith.constant 0 : index
    %get3A_32 = arith.constant 0 : index
    %get3A_33 = vector.load %arg1[%get3A_31, %get3A_32] : memref<1024x128xf32, #tpu.memory_space<vmem>>, vector<1024x128xf32>
    %max3A = arith.constant 0.000000e+00 : f32
    %max3A_34 = vector.broadcast %max3A : f32 to vector<1024x128xf32>
    %max3A_35 = arith.maximumf %add3A_30, %max3A_34 : vector<1024x128xf32>
    %add3A_36 = arith.addf %get3A_33, %max3A_35 : vector<1024x128xf32>
    %swap3A = arith.constant 0 : index
    %swap3A_37 = arith.constant 0 : index
    %swap3A_38 = vector.load %arg6[%swap3A, %swap3A_37] : memref<1024x128xf32, #tpu.memory_space<vmem>>, vector<1024x128xf32>
    tpu.vector_store %arg6[%swap3A, %swap3A_37], %add3A_36 {strides = array<i32>} : memref<1024x128xf32, #tpu.memory_space<vmem>>, vector<1024x128xf32>,
    return
  }
  func.func @transform_0(%arg0: i32) -> (i32, i32) {
    %c0_i32 = arith.constant 0 : i32
    %c0_i32_0 = arith.constant 0 : i32
    return %arg0, %c0_i32 : i32, i32
  }
  func.func @transform_1(%arg0: i32) -> (i32, i32) {
    %c0_i32 = arith.constant 0 : i32
    %c0_i32_0 = arith.constant 0 : i32
    return %arg0, %c0_i32 : i32, i32
  }
  func.func @transform_2(%arg0: i32) -> (i32, i32, i32) {
    %c0_i32 = arith.constant 0 : i32
    %c0_i32_0 = arith.constant 0 : i32
    %c0_i32_1 = arith.constant 0 : i32
    return %c0_i32, %arg0, %c0_i32_0 : i32, i32, i32
  }
  func.func @transform_3(%arg0: i32) -> (i32, i32) {
    %c0_i32 = arith.constant 0 : i32
    %c0_i32_0 = arith.constant 0 : i32
    return %c0_i32, %arg0 : i32, i32
  }
  func.func @transform_4(%arg0: i32) -> i32 {
    %c0_i32 = arith.constant 0 : i32
    %c0_i32_0 = arith.constant 0 : i32
    return %c0_i32 : i32
  }
  func.func @transform_5(%arg0: i32) -> (i32, i32) {
    %c0_i32 = arith.constant 0 : i32
    %c0_i32_0 = arith.constant 0 : i32
    return %arg0, %c0_i32 : i32, i32
  }
}

</mosaic_0001>

<sc_bundles>
// kernel: kernel.6.cloned.1.call-start
scs
__scs_entry_jumppad:
0x0: {  	(pc) =	sbr.rel $0x88, $3  }
0x1: {  	(tag) =	ssettag $0x0;
	lr =	simm.s32 $0x1  }
0x2: {  	[smem:$0x3F9D] =	sst lr;
	_ =	strace $0xD0000000  }
0x3: {  	_ = 	snop  }
0x4: {  	_ = 	snop  }
0x5: {  	_ = 	snop  }
0x6: {  	_ = 	snop  }
0x7: {  	_ = 	snop  }
__scs_overlays_trampoline_lowered:
0x8: {  	[smem:$0x3FAC] =	sst s0  }
0x9: {  	[smem:$0x3FAD] =	sst s1  }
0xa: {  	[smem:$0x3FAE] =	sst s2  }
0xb: {  	[smem:$0x3FAF] =	sst s3  }
0xc: {  	[smem:$0x3FB0] =	sst s4  }
0xd: {  	[smem:$0x3FB1] =	sst s5  }
0xe: {  	[smem:$0x3FB2] =	sst s6  }
0xf: {  	[smem:$0x3FB3] =	sst s7  }
0x10: {  	[smem:$0x3FB4] =	sst s8  }
0x11: {  	[smem:$0x3FB5] =	sst s9;
	s0 =	simm.s32 @!p0 $0x0  }
0x12: {  	s1 =	sld [smem:$0x3F9B];
	s0 =	simm.s32 @p0 $0x1  }
0x13: {  	[smem:$0x3FB6] =	sst s0;
	s0 =	simm.s32 @!p1 $0x0  }
0x14: {  	s2 =	sld [smem:$0x3F9A];
	s0 =	simm.s32 @p1 $0x1  }
0x15: {  	[smem:$0x3FB7] =	sst s0;
	s0 =	simm.s32 @!p2 $0x0  }
0x16: {  	s3 =	sld [smem:$0x3FDB];
	s0 =	simm.s32 @p2 $0x1  }
0x17: {  	s4 =	simm.s32 $0x1BF5;
	[smem:$0x3FB9] =	sst s0  }
0x18: {  	s0 =	sld [smem:$0x3F9C];
	_ =	swait.ge [sflag:s4], $0x0  }
0x19: {  	s7 =	sld [smem:$0x3F9D]  }
0x1a: {  	s8 =	sadd.s32 $0xFFFFE003, lr  }
0x1b: {  	s9 =	sadd.s32 $0xFFFFFEF7, lr;
	s5 =	simm.s32 $0xFFFFFFFF;
	p2 =	slt.u32 s8, $0xFFFFF086  }
0x1c: {  	p1 =	slt.u32 s9, $0xF7A;
	s5 =	simm.s32 @!p2 $0x0  }
0x1d: {  	s5 =	simm.s32 @p1 $0x1;
	p0 =	seq.s32 s7, s2  }
0x1e: {  	s7 =	smul.u32 @!p0 $0xF7A, s2;
	p2 =	seq.s32 @!p0 s5, $0x0  }
0x1f: {  	s9 =	smul.u32 $0xF7A, s1;
	s8 =	simm.s32 @!p0 $0x1BF5;
	p2 =	por !p2, p0  }
0x20: {  	[sflag:s8] =	ssyncset.s32 @!p0 $0xFFFFF086;
	s6 =	sadd.s32 @!p0 s3, s7;
	s7 =	simm.s32 @!p0 $0x108  }
0x21: {  	s3 =	sadd.s32 s3, s9;
	s6 =	sadd.s32 @!p0 $0x88, s6;
	s7 =	simm.s32 @p2 $0x1082  }
0x22: {  	[simem:s7], [sflag:s8] =	dma.local @!p0 [hbm:s6], $0xF7A  }
0x23: {  	s9 =	sor.u32 $0xD0000000, s2;
	s6 =	simm.s32 $0x108;
	_ =	swait.ge @!p0 [sflag:s8], $0x0  }
0x24: {  	s3 =	sadd.s32 $0x88, s3;
	s6 =	simm.s32 @!p1 $0x1082;
	[sflag:s4] =	ssyncset.s32 $0xFFFFF086  }
0x25: {  	[simem:s6], [sflag:s4] =	dma.local [hbm:s3], $0xF7A  }
0x26: {  	[smem:$0x3F9D] =	sst s1;
	(tag) =	ssettag s2;
	_ =	strace s9  }
0x27: {  	s1 =	sld [smem:$0x3FAD]  }
0x28: {  	s2 =	sld [smem:$0x3FAE]  }
0x29: {  	s4 =	sld [smem:$0x3FB0]  }
0x2a: {  	p0 =	seq.s32 s5, $0x0;
	s5 =	sld [smem:$0x3FB1]  }
0x2b: {  	s6 =	sld [smem:$0x3FB2]  }
0x2c: {  	s7 =	sld [smem:$0x3FB3]  }
0x2d: {  	s3 =	simm.s32 $0x108;
	s8 =	sld [smem:$0x3FB4]  }
0x2e: {  	s3 =	simm.s32 @!p0 $0x1082;
	s9 =	sld [smem:$0x3FB5]  }
0x2f: {  	lr =	sadd.s32 s0, s3;
	s0 =	sld [smem:$0x3FAC]  }
0x30: {  	s3 =	sld [smem:$0x3FAF]  }
0x31: {  	[smem:$0x3FB8] =	sst s10  }
0x32: {  	s10 =	sld [smem:$0x3FB6];
	_ =	sdelay $0x3  }
0x33: {  	p0 =	seq.s32 s10, $0x1;
	s10 =	sld [smem:$0x3FB8];
	_ =	sdelay $0x3  }
0x34: {  	[smem:$0x3FB8] =	sst s10  }
0x35: {  	s10 =	sld [smem:$0x3FB7];
	_ =	sdelay $0x3  }
0x36: {  	p1 =	seq.s32 s10, $0x1;
	s10 =	sld [smem:$0x3FB8];
	_ =	sdelay $0x3  }
0x37: {  	[smem:$0x3FB8] =	sst s10  }
0x38: {  	s10 =	sld [smem:$0x3FB9]  }
0x39: {  	_ = 	snop;
	(pc) =	sbr.ind lr, $3  }
0x3a: {  	_ = 	snop  }
0x3b: {  	_ = 	snop  }
0x3c: {  	p2 =	seq.s32 s10, $0x1;
	s10 =	sld [smem:$0x3FB8]  }
0x3d: {  	_ =	shalt  }
0x3e: {  	_ =	shalt  }
0x3f: {  	_ =	shalt  }
0x40: {  	_ =	shalt  }
0x41: {  	_ =	shalt  }
0x42: {  	_ =	shalt  }
0x43: {  	_ =	shalt  }
0x44: {  	_ =	shalt  }
0x45: {  	_ =	shalt  }
0x46: {  	_ =	shalt  }
0x47: {  	_ =	shalt  }
0x48: {  	_ =	shalt  }
0x49: {  	_ =	shalt  }
0x4a: {  	_ =	shalt  }
0x4b: {  	_ =	shalt  }
0x4c: {  	_ =	shalt  }
0x4d: {  	_ =	shalt  }
0x4e: {  	_ =	shalt  }
0x4f: {  	_ =	shalt  }
0x50: {  	_ =	shalt  }
0x51: {  	_ =	shalt  }
0x52: {  	_ =	shalt  }
0x53: {  	_ =	shalt  }
0x54: {  	_ =	shalt  }
0x55: {  	_ =	shalt  }
0x56: {  	_ =	shalt  }
0x57: {  	_ =	shalt  }
0x58: {  	_ =	shalt  }
0x59: {  	_ =	shalt  }
0x5a: {  	_ =	shalt  }
0x5b: {  	_ =	shalt  }
0x5c: {  	_ =	shalt  }
0x5d: {  	_ =	shalt  }
0x5e: {  	_ =	shalt  }
0x5f: {  	_ =	shalt  }
0x60: {  	_ =	shalt  }
0x61: {  	_ =	shalt  }
0x62: {  	_ =	shalt  }
0x63: {  	_ =	shalt  }
0x64: {  	_ =	shalt  }
0x65: {  	_ =	shalt  }
0x66: {  	_ =	shalt  }
0x67: {  	_ =	shalt  }
0x68: {  	_ =	shalt  }
0x69: {  	_ =	shalt  }
0x6a: {  	_ =	shalt  }
0x6b: {  	_ =	shalt  }
0x6c: {  	_ =	shalt  }
0x6d: {  	_ =	shalt  }
0x6e: {  	_ =	shalt  }
0x6f: {  	_ =	shalt  }
0x70: {  	_ =	shalt  }
0x71: {  	_ =	shalt  }
0x72: {  	_ =	shalt  }
0x73: {  	_ =	shalt  }
0x74: {  	_ =	shalt  }
0x75: {  	_ =	shalt  }
0x76: {  	_ =	shalt  }
0x77: {  	_ =	shalt  }
0x78: {  	_ =	shalt  }
0x79: {  	_ =	shalt  }
0x7a: {  	_ =	shalt  }
0x7b: {  	_ =	shalt  }
0x7c: {  	_ =	shalt  }
0x7d: {  	_ =	shalt  }
0x7e: {  	_ =	shalt  }
0x7f: {  	_ =	shalt  }
0x80: {  	_ =	shalt  }
0x81: {  	_ =	shalt  }
0x82: {  	_ =	shalt  }
0x83: {  	_ =	shalt  }
0x84: {  	_ =	shalt  }
0x85: {  	_ =	shalt  }
0x86: {  	_ =	shalt  }
0x87: {  	_ =	shalt  }
.Lfunc_end0:
.L_simem_size_0:
called_computation_lowered:
.L_overlay_start_0:
0x88: {  	s2 =	sld [smem:$0x3FD9]  }
0x89: {  	s3 =	sld [smem:$0x3FFE];
	_ =	sdelay $0x1  }
0x8a: {  	s1 =	srdreg.scid  }
0x8b: {  	s0 =	sand.u32 $0x1, s1  }
0x8c: {  	s18 =	sshll.u32 s0, $0xA;
	s2 =	sadd.s32 s3, s2  }
0x8d: {  	s2 =	sadd.s32 s2, s18  }
0x8e: {  	[smem:$0x3FC4] =	sst s2  }
0x8f: {  	_ = 	snop  }
0x90: {  	s2 =	sld [smem:$0x3FC8]  }
0x91: {  	s19 =	sld [smem:$0x3FD0];
	(tm) =	ssettm $0x1  }
0x92: {  	s4 =	sld [smem:$0x3FFB];
	_ =	sdelay $0x3  }
0x93: {  	_ =	strace s4  }
0x94: {  	s4 =	sld [smem:$0x3FFC];
	_ =	sdelay $0x3  }
0x95: {  	_ =	strace s4  }
0x96: {  	s4 =	sld [smem:$0x3FFD];
	_ =	sdelay $0x3  }
0x97: {  	_ =	strace s4  }
0x98: {  	_ =	strace $0x8FFFFFFF  }
0x99: {  	s20 =	sld [smem:$0x3FDB];
	_ =	sdelay $0x1  }
0x9a: {  	s5 =	simm.s32 $_scs_section_size  }
0x9b: {  	s6 =	simm.s32 $_size__tile_overlayer_lowered;
	s7 =	simm.s32 $_tile_overlayer_lowered  }
0x9c: {  	s23 =	simm.s32 $0x1BFF;
	s22 =	sshll.u32 s7, $0x1;
	s4 =	sadd.s32 s5, s20  }
0x9d: {  	s8 =	simm.s32 $0x0;
	s21 =	sshll.u32 s6, $0x1;
	s6 =	sadd.s32 s22, s4  }
0x9e: {  	[timem:s8], [sflag:s23] =	dma.local [hbm:s6], s21  }
0x9f: {  	_ =	swait.ge [sflag:s23], s21  }
0xa0: {  	s5 =	ssub.s32 $0x0, s21;
	[sflag:s23] =	ssyncset.done $0x0  }
0xa1: {  	[sflag:s23] =	ssyncadd.s32 s5;
	_ =	sdelay $0x1  }
0xa2: {  	s24 =	simm.s32 $0x1B8B  }
0xa3: {  	_ =	swait.ge [sflag:s24], $0x1  }
0xa4: {  	[sflag:s24] =	ssyncset.done $0x0  }
0xa5: {  	s25 =	simm.s32 $0x1B8E;
	[sflag:s24] =	ssyncadd.s32 $0xFFFFFFFF  }
0xa6: {  	s26 =	simm.s32 $execute0_lowered;
	[smem:$0x3FD2] =	sst s25  }
0xa7: {  	s5 =	sshll.u32 s26, $0x1;
	_ =	strace $0x80000046;
	[dreg:$0x1] =	wrdreg $0xFFFFFFFF  }
0xa8: {  	s28 =	simm.s32 $_size_execute0_lowered;
	s4 =	sadd.s32 s4, s5;
	[dreg:$0x0] =	wrdreg $0x0  }
0xa9: {  	s5 =	sshll.u32 s28, $0x1;
	[dreg:$0x2] =	wrdreg s4  }
0xaa: {  	[dreg:$0x3] =	wrdreg s5  }
0xab: {  	[dreg:$0x4] =	wrdreg $0xC0  }
0xac: {  	_ =	task [dreg:s8], $0x5FFFF  }
0xad: {  	[dreg:$0x1] =	wrdreg $0xFFFFFFFF  }
0xae: {  	[dreg:$0x0] =	wrdreg $0x60  }
0xaf: {  	[dreg:$0x2] =	wrdreg s2  }
0xb0: {  	[dreg:$0x3] =	wrdreg s19  }
0xb1: {  	[dreg:$0x4] =	wrdreg $0x0  }
0xb2: {  	[dreg:$0x5] =	wrdreg $0x9  }
0xb3: {  	_ =	task.clear_ibuf [dreg:s8], $0x6FFFF;
	_ =	strace $0x90000046  }
0xb4: {  	s29 =	simm.s32 $0x9;
	_ =	strace $0x80000048  }
0xb5: {  	_ =	swait.ge [sflag:s29], $0x1  }
0xb6: {  	[sflag:s29] =	ssyncadd.s32 $0xFFFFFFFF  }
0xb7: {  	_ =	strace $0x90000048  }
0xb8: {  	_ =	sfence  }
0xb9: {  	s30 =	sld [smem:$0x0];
	_ =	sdelay $0x2  }
0xba: {  	s31 =	sshll.u32 s1, $0xD;
	s1 =	sshrl.u32 s1, $0x2  }
0xbb: {  	s3 =	sand.u32 $0x4000, s31;
	s1 =	sadd.s32 s1, s30  }
0xbc: {  	s0 =	sor.u32 s3, s0;
	s1 =	sshll.u32 s1, $0x11  }
0xbd: {  	s0 =	sor.u32 s1, s0  }
0xbe: {  	s0 =	sadd.s32 $0x8F2B, s0  }
0xbf: {  	[sflag:s0] =	ssyncadd.remote.s32 $0x1  }
0xc0: {  	_ =	sfence.sel $0xFFFF  }
0xc1: {  	[dreg:$0x0] =	wrdreg $0xFFFFFFFF;
	(pc) =	sbr.abs _section_cstart, $3  }
0xc2: {  	[dreg:$0x1] =	wrdreg $0xFFFFFFFF  }
0xc3: {  	_ =	task.clear_ibuf [dreg:s8], $0x2FFFF;
	_ =	strace $0x9FFFFFFF  }
0xc4: {  	(tm) =	ssettm $0x7FFFFFFF  }
0xc5: {  	_ =	shalt  }
tec
execute0_lowered:
.L_overlay_start_1:
0x0: {  	(tag) =	ssettag $0x1  }
0x1: {  	s6 =	rddreg [dreg:$0x0]  }
0x2: {  	s7 =	rddreg [dreg:$0x1]  }
0x3: {  	s2 =	rddreg [dreg:$0x2]  }
0x4: {  	s0 =	rddreg [dreg:$0x3]  }
0x5: {  	s4 =	srdreg.scid;
	s3 =	simm.s32 $0x0;
	s1 =	stileid.u32  }
0x6: {  	s13 =	simm.s32 $0x5080;
	s14 =	simm.s32 $0x2;
	s17 =	simm.s32 $0x10  }
0x7: {  	s18 =	simm.s32 $0x0;
	s5 =	sand.u32 $0x1, s4;
	s8 =	smul.u32 $0xA00, s1  }
0x8: {  	[smem:$0x7FF] =	sst s3;
	s28 =	smul.u32 $0x500, s1;
	s10 =	sshll.u32 s1, $0x5  }
0x9: {  	s30 =	smul.u32 $0x9C0, s1;
	s16 =	sshll.u32 s1, $0x6;
	s4 =	ssub.s32 $0x2, s5  }
0xa: {  	_ =	strace $0x80000047;
	s26 =	sshll.u32 s5, $0x4;
	s11 =	sshll.u32 s5, $0x7  }
0xb: {  	s12 =	smul.u32 $0x9C00, s5;
	s29 =	sadd.s32 s10, s6;
	s10 =	simm.s32 $0x3  }
0xc: {  	s9 =	sshrl.u32 s4, $0x1;
	s8 =	sshrl.u32 s8, $0x2;
	s15 =	sor.u32 s1, s26  }
0xd: {  	s5 =	sadd.s32 $0x13800, s29;
	s9 =	ssub.s32 s4, s9;
	s4 =	sadd.s32 s8, s2  }
0xe: {  	s8 =	sor.u32 s11, s28;
	s31 =	sadd.s32 s12, s6;
	s11 =	simm.s32 $0x1  }
0xf: {  	s12 =	simm.s32 $0x80;
	p0 =	sgt.u32 s15, $0x3;
	s8 =	sshrl.u32 s8, $0x3  }
0x10: {  	s15 =	sor.u32 $0x1C03, s16;
	s16 =	simm.s32 $0x20;
	s6 =	sadd.s32 s7, s8  }
0x11: {  	v0 =	vimm.f32 $1.000000000e+00;
	v1 =	vimm.f32 $0.0e+00;
	s7 =	smax.u32 s9, $0x1;
	s8 =	sadd.s32 s30, s31;
	s9 =	simm.s32 $0x5100  }
.LBB2_1:
0x12: {  	s19 =	simm.s32 $0x280  }
0x13: {  	s20 =	simm.s32 $0x20;
	s22 =	sadd.s32 $0x0, s8;
	s21 =	simm.s32 $0x380  }
.LBB2_2:
0x14: {  	[tilespmem:s19], [sflag:$0x1] =	stream.linear.gather [hbm4b:s22+s3], $0x100, $0x38;
	[tilespmem:$0x5380] =	vst v63  }
0x15: {  	s22 =	smov.u32 s20;
	s19 =	smov.u32 s21;
	p1 =	sne.s32 s20, $0x9A0  }
.Ltmp0:
0x16: {  	s20 =	sadd.s32 $0x20, s20;
	(pc) =	sbr.rel @p1 .LBB2_2-.Ltmp0, $2  }
0x17: {  	_ =	sdelay $0x2  }
0x18: {  	s21 =	sadd.s32 $0x100, s21;
	s22 =	sadd.s32 s22, s8  }
0x19: {  	[tilespmem:s19], [sflag:$0x1] =	stream.linear.gather [hbm4b:s22+s3], $0x100, $0x38;
	[tilespmem:$0x5380] =	vst v63  }
0x1a: {  	[tilespmem:$0x5080] =	vst v0  }
0x1b: {  	[tilespmem:$0x5090] =	vst v0  }
0x1c: {  	[tilespmem:$0x50A0] =	vst v0  }
0x1d: {  	[tilespmem:$0x50B0] =	vst v0  }
0x1e: {  	[tilespmem:$0x50C0] =	vst v0  }
0x1f: {  	[tilespmem:$0x50D0] =	vst v0  }
0x20: {  	[tilespmem:$0x50E0] =	vst v0  }
0x21: {  	[tilespmem:$0x50F0] =	vst v0  }
0x22: {  	[tilespmem:$0x5100] =	vst v1  }
0x23: {  	[tilespmem:$0x5110] =	vst v1  }
0x24: {  	[tilespmem:$0x5120] =	vst v1  }
0x25: {  	[tilespmem:$0x5130] =	vst v1  }
0x26: {  	[tilespmem:$0x5140] =	vst v1  }
0x27: {  	[tilespmem:$0x5150] =	vst v1  }
0x28: {  	[tilespmem:$0x5160] =	vst v1  }
0x29: {  	[tilespmem:$0x5170] =	vst v1  }
0x2a: {  	[tilespmem:$0x5180] =	vst v1  }
0x2b: {  	[tilespmem:$0x5190] =	vst v1  }
0x2c: {  	[tilespmem:$0x51A0] =	vst v1  }
0x2d: {  	[tilespmem:$0x51B0] =	vst v1  }
0x2e: {  	[tilespmem:$0x51C0] =	vst v1  }
0x2f: {  	[tilespmem:$0x51D0] =	vst v1  }
0x30: {  	[tilespmem:$0x51E0] =	vst v1  }
0x31: {  	[tilespmem:$0x51F0] =	vst v1  }
0x32: {  	[tilespmem:$0x5200] =	vst v1  }
0x33: {  	[tilespmem:$0x5210] =	vst v1  }
0x34: {  	[tilespmem:$0x5220] =	vst v1  }
0x35: {  	[tilespmem:$0x5230] =	vst v1  }
0x36: {  	[tilespmem:$0x5240] =	vst v1  }
0x37: {  	[tilespmem:$0x5250] =	vst v1  }
0x38: {  	[tilespmem:$0x5260] =	vst v1  }
0x39: {  	[tilespmem:$0x5270] =	vst v1  }
0x3a: {  	[tilespmem:$0x5280] =	vst v1  }
0x3b: {  	[tilespmem:$0x5290] =	vst v1  }
0x3c: {  	[tilespmem:$0x52A0] =	vst v1  }
0x3d: {  	[tilespmem:$0x52B0] =	vst v1  }
0x3e: {  	[tilespmem:$0x52C0] =	vst v1  }
0x3f: {  	[tilespmem:$0x52D0] =	vst v1  }
0x40: {  	[tilespmem:$0x52E0] =	vst v1  }
0x41: {  	[tilespmem:$0x52F0] =	vst v1  }
0x42: {  	[tilespmem:$0x5300] =	vst v1  }
0x43: {  	[tilespmem:$0x5310] =	vst v1  }
0x44: {  	[tilespmem:$0x5320] =	vst v1  }
0x45: {  	[tilespmem:$0x5330] =	vst v1  }
0x46: {  	[tilespmem:$0x5340] =	vst v1  }
0x47: {  	[tilespmem:$0x5350] =	vst v1  }
0x48: {  	[tilespmem:$0x5360] =	vst v1  }
0x49: {  	[tilespmem:$0x5370] =	vst v1  }
0x4a: {  	[spmem:s4] =	stream.linear.scatter [tilespmem:s9], [sflag:$0x3], $0x280, $0x38;
	[tilespmem:$0x5380] =	vst v63  }
0x4b: {  	_ =	swait.ge [sflag:s10], $0x280  }
0x4c: {  	[sflag:s10] =	ssyncset.done $0x0  }
0x4d: {  	[sflag:s10] =	ssyncadd.s32 $0xFFFFFD80  }
0x4e: {  	_ =	swait.ge [sflag:s11], $0x100  }
0x4f: {  	s19 =	simm.s32 $0x4D;
	[sflag:s11] =	ssyncset.done $0x0  }
.LBB2_4:
0x50: {  	p1 =	sne.s32 s19, $0x1;
	s19 =	sadd.s32 $0xFFFFFFFF, s19;
	[sflag:s11] =	ssyncadd.s32 $0xFFFFFF00  }
.Ltmp1:
0x51: {  	(pc) =	sbr.rel @p1 .LBB2_4-.Ltmp1, $3  }
0x52: {  	_ =	sdelay $0x1  }
0x53: {  	_ =	swait.ge [sflag:s11], $0x100  }
0x54: {  	[sflag:s11] =	ssyncset.done $0x0  }
0x55: {  	[sflag:s11] =	ssyncadd.s32 $0xFFFFFF00  }
0x56: {  	s19 =	simm.s32 $0x200;
	[bflag:$0x0] =	sbarrier.arrive $0xFFFF  }
.LBB2_6:
0x57: {  	p1 =	sne.s32 s19, $0x13600  }
.Ltmp2:
0x58: {  	_ = 	snop;
	(pc) =	sbr.rel @p1 .LBB2_6-.Ltmp2, $4  }
0x59: {  	_ = 	snop  }
0x5a: {  	s20 =	sshra.s32 s19, $0x2  }
0x5b: {  	s19 =	sadd.s32 $0x400, s19;
	s20 =	sadd.s32 $0x280, s20  }
0x5c: {  	[spmem:s2] =	stream.indirect.scatter.add.f32 [tilespmem:s13], [sflag:$0x2], $0x1, s20, s12, $0xb8;
	[tilespmem:$0x5380] =	vst v63  }
0x5d: {  	_ =	swait.ge [sflag:s14], $0x80  }
0x5e: {  	s19 =	simm.s32 $0x4D;
	[sflag:s14] =	ssyncset.done $0x0  }
.LBB2_8:
0x5f: {  	p1 =	sne.s32 s19, $0x1;
	s19 =	sadd.s32 $0xFFFFFFFF, s19;
	[sflag:s14] =	ssyncadd.s32 $0xFFFFFF80  }
.Ltmp3:
0x60: {  	(pc) =	sbr.rel @p1 .LBB2_8-.Ltmp3, $3  }
0x61: {  	_ =	sdelay $0x1  }
0x62: {  	_ =	swait.ge [sflag:s14], $0x80  }
0x63: {  	[sflag:s14] =	ssyncset.done $0x0  }
0x64: {  	[sflag:s14] =	ssyncadd.s32 $0xFFFFFF80;
	s19 =	simm.s32 @!p0 $0x0;
	s20 =	simm.s32 @!p0 $0x280  }
0x65: {  	[tilespmem:s20], [sflag:$0x1] =	stream.linear.gather @!p0 [hbm4b:s5+s19], $0x100, $0x38;
	[tilespmem:$0x5380] =	vst v63  }
0x66: {  	s19 =	simm.s32 @!p0 $0x1  }
0x67: {  	_ =	swait.ge @!p0 [sflag:s19], $0x100  }
0x68: {  	s21 =	simm.s32 @!p0 $0x5080;
	[sflag:s19] =	ssyncset.done @!p0 $0x0  }
0x69: {  	s20 =	simm.s32 @!p0 $0x300;
	[sflag:s19] =	ssyncadd.s32 @!p0 $0xFFFFFF00;
	s19 =	simm.s32 @!p0 $0x80  }
0x6a: {  	[spmem:s2] =	stream.indirect.scatter.add.f32 @!p0 [tilespmem:s21], [sflag:$0x3], $0x1, s20, s19, $0xb8;
	[tilespmem:$0x5380] =	vst v63  }
0x6b: {  	s19 =	simm.s32 @!p0 $0x3  }
0x6c: {  	_ =	swait.ge @!p0 [sflag:s19], $0x80  }
0x6d: {  	s18 =	sadd.s32 $0x1, s18;
	[sflag:s19] =	ssyncset.done @!p0 $0x0  }
0x6e: {  	p1 =	sne.s32 s18, s7;
	[sflag:s19] =	ssyncadd.s32 @!p0 $0xFFFFFF80  }
.Ltmp4:
0x6f: {  	s31 =	sshrl.u32 s4, $0x3;
	[bflag:$0x0] =	sbarrier.arrive $0xFFFF;
	(pc) =	sbr.rel @p1 .LBB2_1-.Ltmp4, $4  }
0x70: {  	[hbm:s6@s16], [sflag:s15] =	dma.strided [spmem:s31@s17], $0x50, s11, $0x10   }
0x71: {  	_ =	swait.ge [sflag:s10], $0x50  }
0x72: {  	[sflag:s10] =	ssyncset.done $0x0  }
0x73: {  	[sflag:s10] =	ssyncadd.s32 $0xFFFFFFB0  }
0x74: {  	_ =	sfence.sel $0x180000  }
0x75: {  	[bflag:$0x0] =	sbarrier.arrive $0xFFFF  }
0x76: {  	p0 =	sne.s32 s1, $0x0;
	_ =	strace $0x90000047  }
0x77: {  	s0 =	sadd.s32 @!p0 $0x100000, s0;
	[bflag:$0x2] =	sbarrier.arrive $0xFFFF  }
0x78: {  	[sflag:s0] =	ssyncadd.tile.s32 @!p0 $0x1;
	_ =	shalt  }
.Lfunc_end2:
_tile_overlayer_lowered:
.L_overlay_start_2:
0x79: {  	(tag) =	ssettag $0x2  }
0x7a: {  	s0 =	rddreg [dreg:$0x0];
	s2 =	stileid.u32  }
0x7b: {  	s1 =	rddreg [dreg:$0x1];
	p0 =	sne.s32 s2, $0x0  }
0x7c: {  	s3 =	rddreg [dreg:$0x2];
	[bflag:$0x3] =	sbarrier.arrive $0xFFFF;
	s2 =	simm.s32 @!p0 $0x1C03  }
0x7d: {  	[timem:s3], [sflag:s2] =	dma.local @!p0 [hbm:s0], s1  }
0x7e: {  	s0 =	simm.s32 @!p0 $0x3  }
0x7f: {  	_ =	swait.ge @!p0 [sflag:s0], s1  }
0x80: {  	s1 =	ssub.s32 @!p0 $0x0, s1;
	[sflag:s0] =	ssyncset.done @!p0 $0x0  }
0x81: {  	[sflag:s0] =	ssyncadd.s32 @!p0 s1  }
0x82: {  	[bflag:$0x3] =	sbarrier.arrive $0xFFFF  }
0x83: {  	_ =	shalt  }

// kernel: kernel.9.cloned.1.call-start
scs
__scs_entry_jumppad:
0x0: {  	(pc) =	sbr.rel $0x88, $3  }
0x1: {  	(tag) =	ssettag $0x0;
	lr =	simm.s32 $0x1  }
0x2: {  	[smem:$0x3F9D] =	sst lr;
	_ =	strace $0xD0000000  }
0x3: {  	_ = 	snop  }
0x4: {  	_ = 	snop  }
0x5: {  	_ = 	snop  }
0x6: {  	_ = 	snop  }
0x7: {  	_ = 	snop  }
__scs_overlays_trampoline_lowered:
0x8: {  	[smem:$0x3FAC] =	sst s0  }
0x9: {  	[smem:$0x3FAD] =	sst s1  }
0xa: {  	[smem:$0x3FAE] =	sst s2  }
0xb: {  	[smem:$0x3FAF] =	sst s3  }
0xc: {  	[smem:$0x3FB0] =	sst s4  }
0xd: {  	[smem:$0x3FB1] =	sst s5  }
0xe: {  	[smem:$0x3FB2] =	sst s6  }
0xf: {  	[smem:$0x3FB3] =	sst s7  }
0x10: {  	[smem:$0x3FB4] =	sst s8  }
0x11: {  	[smem:$0x3FB5] =	sst s9;
	s0 =	simm.s32 @!p0 $0x0  }
0x12: {  	s1 =	sld [smem:$0x3F9B];
	s0 =	simm.s32 @p0 $0x1  }
0x13: {  	[smem:$0x3FB6] =	sst s0;
	s0 =	simm.s32 @!p1 $0x0  }
0x14: {  	s2 =	sld [smem:$0x3F9A];
	s0 =	simm.s32 @p1 $0x1  }
0x15: {  	[smem:$0x3FB7] =	sst s0;
	s0 =	simm.s32 @!p2 $0x0  }
0x16: {  	s3 =	sld [smem:$0x3FDB];
	s0 =	simm.s32 @p2 $0x1  }
0x17: {  	s4 =	simm.s32 $0x1BF5;
	[smem:$0x3FB9] =	sst s0  }
0x18: {  	s0 =	sld [smem:$0x3F9C];
	_ =	swait.ge [sflag:s4], $0x0  }
0x19: {  	s7 =	sld [smem:$0x3F9D]  }
0x1a: {  	s8 =	sadd.s32 $0xFFFFE003, lr  }
0x1b: {  	s9 =	sadd.s32 $0xFFFFFEF7, lr;
	s5 =	simm.s32 $0xFFFFFFFF;
	p2 =	slt.u32 s8, $0xFFFFF086  }
0x1c: {  	p1 =	slt.u32 s9, $0xF7A;
	s5 =	simm.s32 @!p2 $0x0  }
0x1d: {  	s5 =	simm.s32 @p1 $0x1;
	p0 =	seq.s32 s7, s2  }
0x1e: {  	s7 =	smul.u32 @!p0 $0xF7A, s2;
	p2 =	seq.s32 @!p0 s5, $0x0  }
0x1f: {  	s9 =	smul.u32 $0xF7A, s1;
	s8 =	simm.s32 @!p0 $0x1BF5;
	p2 =	por !p2, p0  }
0x20: {  	[sflag:s8] =	ssyncset.s32 @!p0 $0xFFFFF086;
	s6 =	sadd.s32 @!p0 s3, s7;
	s7 =	simm.s32 @!p0 $0x108  }
0x21: {  	s3 =	sadd.s32 s3, s9;
	s6 =	sadd.s32 @!p0 $0x88, s6;
	s7 =	simm.s32 @p2 $0x1082  }
0x22: {  	[simem:s7], [sflag:s8] =	dma.local @!p0 [hbm:s6], $0xF7A  }
0x23: {  	s9 =	sor.u32 $0xD0000000, s2;
	s6 =	simm.s32 $0x108;
	_ =	swait.ge @!p0 [sflag:s8], $0x0  }
0x24: {  	s3 =	sadd.s32 $0x88, s3;
	s6 =	simm.s32 @!p1 $0x1082;
	[sflag:s4] =	ssyncset.s32 $0xFFFFF086  }
0x25: {  	[simem:s6], [sflag:s4] =	dma.local [hbm:s3], $0xF7A  }
0x26: {  	[smem:$0x3F9D] =	sst s1;
	(tag) =	ssettag s2;
	_ =	strace s9  }
0x27: {  	s1 =	sld [smem:$0x3FAD]  }
0x28: {  	s2 =	sld [smem:$0x3FAE]  }
0x29: {  	s4 =	sld [smem:$0x3FB0]  }
0x2a: {  	p0 =	seq.s32 s5, $0x0;
	s5 =	sld [smem:$0x3FB1]  }
0x2b: {  	s6 =	sld [smem:$0x3FB2]  }
0x2c: {  	s7 =	sld [smem:$0x3FB3]  }
0x2d: {  	s3 =	simm.s32 $0x108;
	s8 =	sld [smem:$0x3FB4]  }
0x2e: {  	s3 =	simm.s32 @!p0 $0x1082;
	s9 =	sld [smem:$0x3FB5]  }
0x2f: {  	lr =	sadd.s32 s0, s3;
	s0 =	sld [smem:$0x3FAC]  }
0x30: {  	s3 =	sld [smem:$0x3FAF]  }
0x31: {  	[smem:$0x3FB8] =	sst s10  }
0x32: {  	s10 =	sld [smem:$0x3FB6];
	_ =	sdelay $0x3  }
0x33: {  	p0 =	seq.s32 s10, $0x1;
	s10 =	sld [smem:$0x3FB8];
	_ =	sdelay $0x3  }
0x34: {  	[smem:$0x3FB8] =	sst s10  }
0x35: {  	s10 =	sld [smem:$0x3FB7];
	_ =	sdelay $0x3  }
0x36: {  	p1 =	seq.s32 s10, $0x1;
	s10 =	sld [smem:$0x3FB8];
	_ =	sdelay $0x3  }
0x37: {  	[smem:$0x3FB8] =	sst s10  }
0x38: {  	s10 =	sld [smem:$0x3FB9]  }
0x39: {  	_ = 	snop;
	(pc) =	sbr.ind lr, $3  }
0x3a: {  	_ = 	snop  }
0x3b: {  	_ = 	snop  }
0x3c: {  	p2 =	seq.s32 s10, $0x1;
	s10 =	sld [smem:$0x3FB8]  }
0x3d: {  	_ =	shalt  }
0x3e: {  	_ =	shalt  }
0x3f: {  	_ =	shalt  }
0x40: {  	_ =	shalt  }
0x41: {  	_ =	shalt  }
0x42: {  	_ =	shalt  }
0x43: {  	_ =	shalt  }
0x44: {  	_ =	shalt  }
0x45: {  	_ =	shalt  }
0x46: {  	_ =	shalt  }
0x47: {  	_ =	shalt  }
0x48: {  	_ =	shalt  }
0x49: {  	_ =	shalt  }
0x4a: {  	_ =	shalt  }
0x4b: {  	_ =	shalt  }
0x4c: {  	_ =	shalt  }
0x4d: {  	_ =	shalt  }
0x4e: {  	_ =	shalt  }
0x4f: {  	_ =	shalt  }
0x50: {  	_ =	shalt  }
0x51: {  	_ =	shalt  }
0x52: {  	_ =	shalt  }
0x53: {  	_ =	shalt  }
0x54: {  	_ =	shalt  }
0x55: {  	_ =	shalt  }
0x56: {  	_ =	shalt  }
0x57: {  	_ =	shalt  }
0x58: {  	_ =	shalt  }
0x59: {  	_ =	shalt  }
0x5a: {  	_ =	shalt  }
0x5b: {  	_ =	shalt  }
0x5c: {  	_ =	shalt  }
0x5d: {  	_ =	shalt  }
0x5e: {  	_ =	shalt  }
0x5f: {  	_ =	shalt  }
0x60: {  	_ =	shalt  }
0x61: {  	_ =	shalt  }
0x62: {  	_ =	shalt  }
0x63: {  	_ =	shalt  }
0x64: {  	_ =	shalt  }
0x65: {  	_ =	shalt  }
0x66: {  	_ =	shalt  }
0x67: {  	_ =	shalt  }
0x68: {  	_ =	shalt  }
0x69: {  	_ =	shalt  }
0x6a: {  	_ =	shalt  }
0x6b: {  	_ =	shalt  }
0x6c: {  	_ =	shalt  }
0x6d: {  	_ =	shalt  }
0x6e: {  	_ =	shalt  }
0x6f: {  	_ =	shalt  }
0x70: {  	_ =	shalt  }
0x71: {  	_ =	shalt  }
0x72: {  	_ =	shalt  }
0x73: {  	_ =	shalt  }
0x74: {  	_ =	shalt  }
0x75: {  	_ =	shalt  }
0x76: {  	_ =	shalt  }
0x77: {  	_ =	shalt  }
0x78: {  	_ =	shalt  }
0x79: {  	_ =	shalt  }
0x7a: {  	_ =	shalt  }
0x7b: {  	_ =	shalt  }
0x7c: {  	_ =	shalt  }
0x7d: {  	_ =	shalt  }
0x7e: {  	_ =	shalt  }
0x7f: {  	_ =	shalt  }
0x80: {  	_ =	shalt  }
0x81: {  	_ =	shalt  }
0x82: {  	_ =	shalt  }
0x83: {  	_ =	shalt  }
0x84: {  	_ =	shalt  }
0x85: {  	_ =	shalt  }
0x86: {  	_ =	shalt  }
0x87: {  	_ =	shalt  }
.Lfunc_end0:
.L_simem_size_0:
called_computation.1_lowered:
.L_overlay_start_0:
0x88: {  	s2 =	sld [smem:$0x3FD9]  }
0x89: {  	s3 =	sld [smem:$0x3FFE];
	_ =	sdelay $0x1  }
0x8a: {  	s1 =	srdreg.scid  }
0x8b: {  	s0 =	sand.u32 $0x1, s1  }
0x8c: {  	s17 =	sshll.u32 s0, $0xA;
	s2 =	sadd.s32 s3, s2  }
0x8d: {  	s2 =	sadd.s32 s2, s17  }
0x8e: {  	[smem:$0x3FC4] =	sst s2  }
0x8f: {  	_ = 	snop  }
0x90: {  	s2 =	sld [smem:$0x3FC8]  }
0x91: {  	s18 =	sld [smem:$0x3FD0];
	(tm) =	ssettm $0x1  }
0x92: {  	s4 =	sld [smem:$0x3FFB];
	_ =	sdelay $0x3  }
0x93: {  	_ =	strace s4  }
0x94: {  	s4 =	sld [smem:$0x3FFC];
	_ =	sdelay $0x3  }
0x95: {  	_ =	strace s4  }
0x96: {  	s4 =	sld [smem:$0x3FFD];
	_ =	sdelay $0x3  }
0x97: {  	_ =	strace s4  }
0x98: {  	_ =	strace $0x8FFFFFFF  }
0x99: {  	s19 =	sld [smem:$0x3FDB];
	_ =	sdelay $0x1  }
0x9a: {  	s5 =	simm.s32 $_scs_section_size  }
0x9b: {  	s6 =	simm.s32 $_size__tile_overlayer_lowered;
	s7 =	simm.s32 $_tile_overlayer_lowered  }
0x9c: {  	s22 =	simm.s32 $0x1BFF;
	s21 =	sshll.u32 s7, $0x1;
	s4 =	sadd.s32 s5, s19  }
0x9d: {  	s8 =	simm.s32 $0x0;
	s20 =	sshll.u32 s6, $0x1;
	s6 =	sadd.s32 s21, s4  }
0x9e: {  	[timem:s8], [sflag:s22] =	dma.local [hbm:s6], s20  }
0x9f: {  	_ =	swait.ge [sflag:s22], s20  }
0xa0: {  	s5 =	ssub.s32 $0x0, s20;
	[sflag:s22] =	ssyncset.done $0x0  }
0xa1: {  	[sflag:s22] =	ssyncadd.s32 s5;
	_ =	sdelay $0x1  }
0xa2: {  	s23 =	simm.s32 $0x1B8B  }
0xa3: {  	_ =	swait.ge [sflag:s23], $0x1  }
0xa4: {  	[sflag:s23] =	ssyncset.done $0x0  }
0xa5: {  	s25 =	simm.s32 $0x1B8E;
	s24 =	sld [smem:$0x3FFE];
	[sflag:s23] =	ssyncadd.s32 $0xFFFFFFFF  }
0xa6: {  	s26 =	simm.s32 $execute0_lowered;
	[smem:$0x3FD2] =	sst s25  }
0xa7: {  	s6 =	sshll.u32 s26, $0x1;
	_ =	strace $0x80000049;
	[dreg:$0x1] =	wrdreg $0xFFFFFFFF  }
0xa8: {  	s28 =	simm.s32 $_size_execute0_lowered;
	s4 =	sadd.s32 s4, s6;
	[dreg:$0x0] =	wrdreg $0x0  }
0xa9: {  	s6 =	sshll.u32 s28, $0x1;
	[dreg:$0x2] =	wrdreg s4  }
0xaa: {  	[dreg:$0x3] =	wrdreg s6  }
0xab: {  	[dreg:$0x4] =	wrdreg $0xC0  }
0xac: {  	_ =	task [dreg:s8], $0x5FFFF  }
0xad: {  	[dreg:$0x1] =	wrdreg $0xFFFFFFFF  }
0xae: {  	[dreg:$0x0] =	wrdreg $0x60  }
0xaf: {  	[dreg:$0x2] =	wrdreg s18  }
0xb0: {  	[dreg:$0x3] =	wrdreg s2  }
0xb1: {  	[dreg:$0x4] =	wrdreg s24  }
0xb2: {  	[dreg:$0x5] =	wrdreg $0x0  }
0xb3: {  	[dreg:$0x6] =	wrdreg $0x9  }
0xb4: {  	_ =	task.clear_ibuf [dreg:s8], $0x7FFFF;
	_ =	strace $0x90000049  }
0xb5: {  	s29 =	simm.s32 $0x9;
	_ =	strace $0x8000004B  }
0xb6: {  	_ =	swait.ge [sflag:s29], $0x1  }
0xb7: {  	[sflag:s29] =	ssyncadd.s32 $0xFFFFFFFF  }
0xb8: {  	_ =	strace $0x9000004B  }
0xb9: {  	_ =	sfence  }
0xba: {  	s30 =	sld [smem:$0x0];
	_ =	sdelay $0x2  }
0xbb: {  	s31 =	sshll.u32 s1, $0xD;
	s1 =	sshrl.u32 s1, $0x2  }
0xbc: {  	s3 =	sand.u32 $0x4000, s31;
	s1 =	sadd.s32 s1, s30  }
0xbd: {  	s0 =	sor.u32 s3, s0;
	s1 =	sshll.u32 s1, $0x11  }
0xbe: {  	s0 =	sor.u32 s1, s0  }
0xbf: {  	s0 =	sadd.s32 $0x8F2B, s0  }
0xc0: {  	[sflag:s0] =	ssyncadd.remote.s32 $0x1  }
0xc1: {  	_ =	sfence.sel $0xFFFF  }
0xc2: {  	[dreg:$0x0] =	wrdreg $0xFFFFFFFF;
	(pc) =	sbr.abs _section_cstart, $3  }
0xc3: {  	[dreg:$0x1] =	wrdreg $0xFFFFFFFF  }
0xc4: {  	_ =	task.clear_ibuf [dreg:s8], $0x2FFFF;
	_ =	strace $0x9FFFFFFF  }
0xc5: {  	(tm) =	ssettm $0x7FFFFFFF  }
tec
execute0_lowered:
.L_overlay_start_1:
0x0: {  	(tag) =	ssettag $0x1  }
0x1: {  	s0 =	rddreg [dreg:$0x0]  }
0x2: {  	s1 =	rddreg [dreg:$0x1]  }
0x3: {  	s5 =	rddreg [dreg:$0x2]  }
0x4: {  	s2 =	srdreg.scid;
	s3 =	rddreg [dreg:$0x3]  }
0x5: {  	s20 =	stileid.u32;
	s4 =	simm.s32 $0x0;
	s28 =	simm.s32 $0x14200  }
0x6: {  	s29 =	simm.s32 $0x14100;
	s30 =	simm.s32 $0x14300;
	s31 =	simm.s32 $0x1  }
0x7: {  	s2 =	sand.u32 $0x1, s2;
	[smem:$0x7FF] =	sst s4;
	s9 =	smul.u32 $0x50000, s20  }
0x8: {  	s5 =	sadd.s32 $0x1600, s5;
	s12 =	smul.u32 $0x14000, s20;
	s13 =	sadd.s32 $0x20, s1  }
0x9: {  	s6 =	sshll.u32 s2, $0x4;
	_ =	strace $0x8000004A;
	s16 =	smul.u32 $0x140000, s2  }
0xa: {  	s17 =	ssub.s32 $0x2, s2;
	s2 =	smul.u32 $0x4E0, s2;
	s8 =	sor.u32 s20, s6  }
0xb: {  	s10 =	sshrl.u32 s17, $0x1;
	s19 =	sshrl.u32 s9, $0x2;
	s14 =	sadd.s32 $0x4000, s12  }
0xc: {  	s15 =	sadd.s32 $0x8000, s12;
	s7 =	smul.u32 $0x9C0, s8;
	s10 =	ssub.s32 s17, s10  }
0xd: {  	s6 =	sadd.s32 s19, s3;
	s9 =	sadd.s32 s14, s3;
	s11 =	sadd.s32 s15, s3  }
0xe: {  	s17 =	sadd.s32 $0xC000, s12;
	s14 =	sadd.s32 s16, s14;
	s19 =	smul.u32 $0x4E, s20  }
0xf: {  	s26 =	sadd.s32 s16, s15;
	p0 =	sgt.u32 s8, $0x3;
	s21 =	sadd.s32 $0x2000, s6  }
0x10: {  	s8 =	simm.s32 $0x2;
	s22 =	sadd.s32 $0x6000, s6;
	[dreg:$0x7] =	wrdreg s21  }
0x11: {  	s23 =	sadd.s32 $0xA000, s6;
	s14 =	sshrl.u32 s14, $0x3;
	[dreg:$0x8] =	wrdreg s22  }
0x12: {  	s18 =	sadd.s32 s1, s7;
	s7 =	sadd.s32 s7, s13;
	[dreg:$0x9] =	wrdreg s23  }
0x13: {  	s25 =	sadd.s32 s5, s14;
	s2 =	sadd.s32 s19, s2;
	s14 =	sshrl.u32 s26, $0x3  }
0x14: {  	s22 =	sshll.u32 s20, $0x5;
	s23 =	sadd.s32 $0xE000, s6;
	[dreg:$0x5] =	wrdreg s18  }
0x15: {  	s26 =	smax.u32 s10, $0x1;
	s10 =	simm.s32 $0x18400;
	[dreg:$0x6] =	wrdreg s7  }
0x16: {  	s18 =	sadd.s32 s12, s16;
	s12 =	sadd.s32 $0x10000, s12;
	[dreg:$0xb] =	wrdreg s25  }
0x17: {  	s7 =	sadd.s32 s16, s17;
	s2 =	sshll.u32 s2, $0x5;
	[dreg:$0xf] =	wrdreg s23  }
0x18: {  	[dreg:$0x12] =	wrdreg s26;
	s26 =	simm.s32 $0x14000;
	s18 =	sshrl.u32 s18, $0x3  }
0x19: {  	s15 =	sshrl.u32 s7, $0x3;
	s16 =	sadd.s32 s16, s12;
	s13 =	sadd.s32 s13, s2  }
0x1a: {  	s20 =	sadd.s32 s12, s3;
	s12 =	simm.s32 $0x1C400;
	s24 =	sadd.s32 s5, s18  }
0x1b: {  	s18 =	sadd.s32 s5, s14;
	s19 =	sadd.s32 s5, s15;
	[dreg:$0xa] =	wrdreg s24  }
0x1c: {  	s21 =	sshrl.u32 s16, $0x3;
	s14 =	simm.s32 $0x5;
	[dreg:$0xc] =	wrdreg s18  }
0x1d: {  	s15 =	simm.s32 $0x3;
	s16 =	simm.s32 $0x14280;
	[dreg:$0xd] =	wrdreg s19  }
0x1e: {  	s5 =	sadd.s32 s5, s21;
	s18 =	sadd.s32 s17, s3;
	s24 =	sadd.s32 $0x12000, s6  }
0x1f: {  	s17 =	simm.s32 $0x6;
	s19 =	simm.s32 $0x4;
	s21 =	simm.s32 $0x14380  }
0x20: {  	[dreg:$0xe] =	wrdreg s5;
	s5 =	sadd.s32 s22, s1;
	s1 =	sadd.s32 s1, s2  }
0x21: {  	[dreg:$0x10] =	wrdreg s24;
	s24 =	sadd.s32 $0x40, s13;
	s2 =	simm.s32 $0x14400  }
0x22: {  	s13 =	simm.s32 $0x7;
	s22 =	simm.s32 $0x0;
	s25 =	sadd.s32 $0x13800, s5  }
0x23: {  	v0 =	vimm.f32 $0.0e+00;
	[dreg:$0x11] =	wrdreg s25;
	s25 =	sadd.s32 $0x40, s1;
	s1 =	simm.s32 $0x80  }
.LBB2_1:
0x24: {  	s5 =	rddreg [dreg:$0x5]  }
0x25: {  	[tilespmem:s26], [sflag:$0x1] =	stream.linear.gather [hbm4b:s5+s4], $0x100, $0x38;
	[tilespmem:$0x1E400] =	vst v63  }
0x26: {  	_ = 	snop  }
0x27: {  	[tilespmem:s28], [sflag:$0x3] =	stream.linear.gather [hbm4b:s5+s4], $0x100, $0x38;
	[tilespmem:$0x1E400] =	vst v63  }
0x28: {  	s23 =	rddreg [dreg:$0x6]  }
0x29: {  	[tilespmem:s29], [sflag:$0x2] =	stream.linear.gather [hbm4b:s23+s4], $0x100, $0x38;
	[tilespmem:$0x1E400] =	vst v63  }
0x2a: {  	_ = 	snop  }
0x2b: {  	[tilespmem:s30], [sflag:$0x4] =	stream.linear.gather [hbm4b:s23+s4], $0x100, $0x38;
	[tilespmem:$0x1E400] =	vst v63  }
0x2c: {  	s5 =	simm.s32 $0x200;
	s23 =	simm.s32 $0x0  }
.LBB2_2:
0x2d: {  	p1 =	sne.s32 s5, $0x7E00;
	[tilespmem:s23+$0x1C470] =	vst v0  }
0x2e: {  	[tilespmem:s23+$0x1C400] =	vst v0  }
0x2f: {  	[tilespmem:s23+$0x1C410] =	vst v0  }
.Ltmp0:
0x30: {  	[tilespmem:s23+$0x1C420] =	vst v0;
	(pc) =	sbr.rel @p1 .LBB2_2-.Ltmp0, $4  }
0x31: {  	[tilespmem:s23+$0x1C430] =	vst v0  }
0x32: {  	[tilespmem:s23+$0x1C440] =	vst v0  }
0x33: {  	[tilespmem:s23+$0x1C450] =	vst v0  }
0x34: {  	[tilespmem:s23+$0x1C460] =	vst v0;
	s23 =	sshra.s32 s5, $0x2;
	s5 =	sadd.s32 $0x200, s5  }
0x35: {  	[tilespmem:s23+$0x1C470] =	vst v0  }
0x36: {  	[tilespmem:s23+$0x1C400] =	vst v0  }
0x37: {  	[tilespmem:s23+$0x1C410] =	vst v0  }
0x38: {  	[tilespmem:s23+$0x1C420] =	vst v0  }
0x39: {  	[tilespmem:s23+$0x1C430] =	vst v0  }
0x3a: {  	[tilespmem:s23+$0x1C440] =	vst v0  }
0x3b: {  	[tilespmem:s23+$0x1C450] =	vst v0  }
0x3c: {  	[tilespmem:s23+$0x1C460] =	vst v0  }
0x3d: {  	_ =	swait.ge [sflag:s31], $0x100  }
0x3e: {  	[sflag:s31] =	ssyncset.done $0x0  }
0x3f: {  	[sflag:s31] =	ssyncadd.s32 $0xFFFFFF00  }
0x40: {  	[tilespmem:s2], [sflag:$0x5] =	stream.indirect.gather [hbm4b:s0+s1], $0x80, s26, s1, $0xb8;
	[tilespmem:$0x1E400] =	vst v63  }
0x41: {  	_ =	swait.ge [sflag:s8], $0x100  }
0x42: {  	[sflag:s8] =	ssyncset.done $0x0  }
0x43: {  	[sflag:s8] =	ssyncadd.s32 $0xFFFFFF00  }
0x44: {  	[tilespmem:s10], [sflag:$0x6] =	stream.indirect.gather [hbm4b:s0+s1], $0x80, s29, s1, $0xb8;
	[tilespmem:$0x1E400] =	vst v63  }
0x45: {  	_ = 	snop  }
0x46: {  	[spmem:s6] =	stream.linear.scatter [tilespmem:s12], [sflag:$0x7], $0x2000, $0x38;
	[tilespmem:$0x1E400] =	vst v63  }
0x47: {  	_ =	swait.ge [sflag:s13], $0x2000  }
0x48: {  	[sflag:s13] =	ssyncset.done $0x0  }
0x49: {  	s5 =	rddreg [dreg:$0x7];
	[sflag:s13] =	ssyncadd.s32 $0xFFFFE000  }
0x4a: {  	[spmem:s5] =	stream.linear.scatter [tilespmem:s12], [sflag:$0x7], $0x2000, $0x38;
	[tilespmem:$0x1E400] =	vst v63  }
0x4b: {  	_ =	swait.ge [sflag:s13], $0x2000  }
0x4c: {  	[sflag:s13] =	ssyncset.done $0x0  }
0x4d: {  	[sflag:s13] =	ssyncadd.s32 $0xFFFFE000  }
0x4e: {  	[spmem:s9] =	stream.linear.scatter [tilespmem:s12], [sflag:$0x7], $0x2000, $0x38;
	[tilespmem:$0x1E400] =	vst v63  }
0x4f: {  	_ =	swait.ge [sflag:s13], $0x2000  }
0x50: {  	[sflag:s13] =	ssyncset.done $0x0  }
0x51: {  	s7 =	rddreg [dreg:$0x8];
	[sflag:s13] =	ssyncadd.s32 $0xFFFFE000  }
0x52: {  	[spmem:s7] =	stream.linear.scatter [tilespmem:s12], [sflag:$0x7], $0x2000, $0x38;
	[tilespmem:$0x1E400] =	vst v63  }
0x53: {  	_ =	swait.ge [sflag:s13], $0x2000  }
0x54: {  	[sflag:s13] =	ssyncset.done $0x0  }
0x55: {  	[sflag:s13] =	ssyncadd.s32 $0xFFFFE000  }
0x56: {  	[spmem:s11] =	stream.linear.scatter [tilespmem:s12], [sflag:$0x7], $0x2000, $0x38;
	[tilespmem:$0x1E400] =	vst v63  }
0x57: {  	_ =	swait.ge [sflag:s13], $0x2000  }
0x58: {  	[sflag:s13] =	ssyncset.done $0x0  }
0x59: {  	s23 =	rddreg [dreg:$0x9];
	[sflag:s13] =	ssyncadd.s32 $0xFFFFE000  }
0x5a: {  	[spmem:s23] =	stream.linear.scatter [tilespmem:s12], [sflag:$0x7], $0x2000, $0x38;
	[tilespmem:$0x1E400] =	vst v63  }
0x5b: {  	_ =	swait.ge [sflag:s13], $0x2000  }
0x5c: {  	[sflag:s13] =	ssyncset.done $0x0  }
0x5d: {  	[sflag:s13] =	ssyncadd.s32 $0xFFFFE000  }
0x5e: {  	[spmem:s18] =	stream.linear.scatter [tilespmem:s12], [sflag:$0x7], $0x2000, $0x38;
	[tilespmem:$0x1E400] =	vst v63  }
0x5f: {  	_ =	swait.ge [sflag:s13], $0x2000  }
0x60: {  	[sflag:s13] =	ssyncset.done $0x0  }
0x61: {  	s7 =	rddreg [dreg:$0xf];
	[sflag:s13] =	ssyncadd.s32 $0xFFFFE000  }
0x62: {  	[spmem:s7] =	stream.linear.scatter [tilespmem:s12], [sflag:$0x7], $0x2000, $0x38;
	[tilespmem:$0x1E400] =	vst v63  }
0x63: {  	_ =	swait.ge [sflag:s13], $0x2000  }
0x64: {  	[sflag:s13] =	ssyncset.done $0x0  }
0x65: {  	[sflag:s13] =	ssyncadd.s32 $0xFFFFE000  }
0x66: {  	[spmem:s20] =	stream.linear.scatter [tilespmem:s12], [sflag:$0x7], $0x2000, $0x38;
	[tilespmem:$0x1E400] =	vst v63  }
0x67: {  	_ =	swait.ge [sflag:s13], $0x2000  }
0x68: {  	[sflag:s13] =	ssyncset.done $0x0  }
0x69: {  	s23 =	rddreg [dreg:$0x10];
	[sflag:s13] =	ssyncadd.s32 $0xFFFFE000  }
0x6a: {  	[spmem:s23] =	stream.linear.scatter [tilespmem:s12], [sflag:$0x7], $0x2000, $0x38;
	[tilespmem:$0x1E400] =	vst v63  }
0x6b: {  	_ =	swait.ge [sflag:s13], $0x2000  }
0x6c: {  	[sflag:s13] =	ssyncset.done $0x0  }
0x6d: {  	[sflag:s13] =	ssyncadd.s32 $0xFFFFE000  }
0x6e: {  	[bflag:$0x0] =	sbarrier.arrive $0xFFFF  }
0x6f: {  	_ =	swait.ge [sflag:s14], $0x4000  }
0x70: {  	[sflag:s14] =	ssyncset.done $0x0  }
0x71: {  	s7 =	sadd.s32 $0x0, s25;
	[sflag:s14] =	ssyncadd.s32 $0xFFFFC000  }
0x72: {  	[tilespmem:s26], [sflag:$0x1] =	stream.linear.gather [hbm4b:s7+s4], $0x100, $0x38;
	[tilespmem:$0x1E400] =	vst v63  }
0x73: {  	_ =	swait.ge [sflag:s15], $0x100  }
0x74: {  	[sflag:s15] =	ssyncset.done $0x0  }
0x75: {  	[sflag:s15] =	ssyncadd.s32 $0xFFFFFF00  }
0x76: {  	[spmem:s3] =	stream.indirect.scatter.add.f32 [tilespmem:s2], [sflag:$0x7], $0x80, s16, s1, $0xb8;
	[tilespmem:$0x1E400] =	vst v63  }
0x77: {  	_ =	swait.ge [sflag:s13], $0x4000  }
0x78: {  	[sflag:s13] =	ssyncset.done $0x0  }
0x79: {  	[sflag:s13] =	ssyncadd.s32 $0xFFFFC000  }
0x7a: {  	[tilespmem:s28], [sflag:$0x3] =	stream.linear.gather [hbm4b:s7+s4], $0x100, $0x38;
	[tilespmem:$0x1E400] =	vst v63  }
0x7b: {  	_ =	swait.ge [sflag:s31], $0x100  }
0x7c: {  	[sflag:s31] =	ssyncset.done $0x0  }
0x7d: {  	[sflag:s31] =	ssyncadd.s32 $0xFFFFFF00  }
0x7e: {  	[tilespmem:s2], [sflag:$0x5] =	stream.indirect.gather [hbm4b:s0+s1], $0x80, s26, s1, $0xb8;
	[tilespmem:$0x1E400] =	vst v63  }
0x7f: {  	_ =	swait.ge [sflag:s17], $0x4000  }
0x80: {  	[sflag:s17] =	ssyncset.done $0x0  }
0x81: {  	s23 =	sadd.s32 $0x0, s24;
	[sflag:s17] =	ssyncadd.s32 $0xFFFFC000  }
0x82: {  	[tilespmem:s29], [sflag:$0x2] =	stream.linear.gather [hbm4b:s23+s4], $0x100, $0x38;
	[tilespmem:$0x1E400] =	vst v63  }
0x83: {  	_ =	swait.ge [sflag:s19], $0x100  }
0x84: {  	[sflag:s19] =	ssyncset.done $0x0  }
0x85: {  	[sflag:s19] =	ssyncadd.s32 $0xFFFFFF00  }
0x86: {  	[spmem:s3] =	stream.indirect.scatter.add.f32 [tilespmem:s10], [sflag:$0x7], $0x80, s21, s1, $0xb8;
	[tilespmem:$0x1E400] =	vst v63  }
0x87: {  	_ =	swait.ge [sflag:s13], $0x4000  }
0x88: {  	[sflag:s13] =	ssyncset.done $0x0  }
0x89: {  	[sflag:s13] =	ssyncadd.s32 $0xFFFFC000  }
0x8a: {  	[tilespmem:s30], [sflag:$0x4] =	stream.linear.gather [hbm4b:s23+s4], $0x100, $0x38;
	[tilespmem:$0x1E400] =	vst v63  }
0x8b: {  	_ =	swait.ge [sflag:s8], $0x100  }
0x8c: {  	[sflag:s8] =	ssyncset.done $0x0  }
0x8d: {  	s23 =	simm.s32 $0x40;
	[sflag:s8] =	ssyncadd.s32 $0xFFFFFF00  }
.LBB2_4:
0x8e: {  	[tilespmem:s10], [sflag:$0x6] =	stream.indirect.gather [hbm4b:s0+s1], $0x80, s29, s1, $0xb8;
	[tilespmem:$0x1E400] =	vst v63  }
0x8f: {  	s5 =	smov.u32 s23  }
0x90: {  	p1 =	sne.s32 s23, $0x940;
	s23 =	sadd.s32 $0x40, s23;
	_ =	swait.ge [sflag:s14], $0x4000  }
0x91: {  	[sflag:s14] =	ssyncset.done $0x0  }
0x92: {  	s7 =	sadd.s32 s5, s25;
	[sflag:s14] =	ssyncadd.s32 $0xFFFFC000  }
0x93: {  	[tilespmem:s26], [sflag:$0x1] =	stream.linear.gather [hbm4b:s7+s4], $0x100, $0x38;
	[tilespmem:$0x1E400] =	vst v63  }
0x94: {  	_ =	swait.ge [sflag:s15], $0x100  }
0x95: {  	[sflag:s15] =	ssyncset.done $0x0  }
0x96: {  	[sflag:s15] =	ssyncadd.s32 $0xFFFFFF00  }
0x97: {  	[spmem:s3] =	stream.indirect.scatter.add.f32 [tilespmem:s2], [sflag:$0x7], $0x80, s16, s1, $0xb8;
	[tilespmem:$0x1E400] =	vst v63  }
0x98: {  	_ =	swait.ge [sflag:s13], $0x4000  }
0x99: {  	[sflag:s13] =	ssyncset.done $0x0  }
0x9a: {  	[sflag:s13] =	ssyncadd.s32 $0xFFFFC000  }
0x9b: {  	[tilespmem:s28], [sflag:$0x3] =	stream.linear.gather [hbm4b:s7+s4], $0x100, $0x38;
	[tilespmem:$0x1E400] =	vst v63  }
0x9c: {  	_ =	swait.ge [sflag:s31], $0x100  }
0x9d: {  	[sflag:s31] =	ssyncset.done $0x0  }
0x9e: {  	[sflag:s31] =	ssyncadd.s32 $0xFFFFFF00  }
0x9f: {  	[tilespmem:s2], [sflag:$0x5] =	stream.indirect.gather [hbm4b:s0+s1], $0x80, s26, s1, $0xb8;
	[tilespmem:$0x1E400] =	vst v63  }
0xa0: {  	_ =	swait.ge [sflag:s17], $0x4000  }
0xa1: {  	[sflag:s17] =	ssyncset.done $0x0  }
0xa2: {  	s5 =	sadd.s32 s5, s24;
	[sflag:s17] =	ssyncadd.s32 $0xFFFFC000  }
0xa3: {  	[tilespmem:s29], [sflag:$0x2] =	stream.linear.gather [hbm4b:s5+s4], $0x100, $0x38;
	[tilespmem:$0x1E400] =	vst v63  }
0xa4: {  	_ =	swait.ge [sflag:s19], $0x100  }
0xa5: {  	[sflag:s19] =	ssyncset.done $0x0  }
0xa6: {  	[sflag:s19] =	ssyncadd.s32 $0xFFFFFF00  }
0xa7: {  	[spmem:s3] =	stream.indirect.scatter.add.f32 [tilespmem:s10], [sflag:$0x7], $0x80, s21, s1, $0xb8;
	[tilespmem:$0x1E400] =	vst v63  }
0xa8: {  	_ =	swait.ge [sflag:s13], $0x4000  }
0xa9: {  	[sflag:s13] =	ssyncset.done $0x0  }
.Ltmp1:
0xaa: {  	[sflag:s13] =	ssyncadd.s32 $0xFFFFC000;
	(pc) =	sbr.rel @p1 .LBB2_4-.Ltmp1, $4  }
0xab: {  	[tilespmem:s30], [sflag:$0x4] =	stream.linear.gather [hbm4b:s5+s4], $0x100, $0x38;
	[tilespmem:$0x1E400] =	vst v63  }
0xac: {  	_ =	swait.ge [sflag:s8], $0x100  }
0xad: {  	[sflag:s8] =	ssyncset.done $0x0  }
0xae: {  	[sflag:s8] =	ssyncadd.s32 $0xFFFFFF00  }
0xaf: {  	[tilespmem:s10], [sflag:$0x6] =	stream.indirect.gather [hbm4b:s0+s1], $0x80, s29, s1, $0xb8;
	[tilespmem:$0x1E400] =	vst v63  }
0xb0: {  	_ =	swait.ge [sflag:s14], $0x4000  }
0xb1: {  	[sflag:s14] =	ssyncset.done $0x0  }
0xb2: {  	[sflag:s14] =	ssyncadd.s32 $0xFFFFC000  }
0xb3: {  	_ =	swait.ge [sflag:s15], $0x100  }
0xb4: {  	[sflag:s15] =	ssyncset.done $0x0  }
0xb5: {  	[sflag:s15] =	ssyncadd.s32 $0xFFFFFF00  }
0xb6: {  	[spmem:s3] =	stream.indirect.scatter.add.f32 [tilespmem:s2], [sflag:$0x7], $0x80, s16, s1, $0xb8;
	[tilespmem:$0x1E400] =	vst v63  }
0xb7: {  	_ =	swait.ge [sflag:s13], $0x4000  }
0xb8: {  	[sflag:s13] =	ssyncset.done $0x0  }
0xb9: {  	[sflag:s13] =	ssyncadd.s32 $0xFFFFC000  }
0xba: {  	_ =	swait.ge [sflag:s17], $0x4000  }
0xbb: {  	[sflag:s17] =	ssyncset.done $0x0  }
0xbc: {  	[sflag:s17] =	ssyncadd.s32 $0xFFFFC000  }
0xbd: {  	_ =	swait.ge [sflag:s19], $0x100  }
0xbe: {  	[sflag:s19] =	ssyncset.done $0x0  }
0xbf: {  	[sflag:s19] =	ssyncadd.s32 $0xFFFFFF00  }
0xc0: {  	[spmem:s3] =	stream.indirect.scatter.add.f32 [tilespmem:s10], [sflag:$0x7], $0x80, s21, s1, $0xb8;
	[tilespmem:$0x1E400] =	vst v63  }
0xc1: {  	_ =	swait.ge [sflag:s13], $0x4000  }
0xc2: {  	s5 =	simm.s32 @!p0 $0x0;
	[sflag:s13] =	ssyncset.done $0x0  }
0xc3: {  	s7 =	simm.s32 @!p0 $0x14000;
	s23 =	rddreg [dreg:$0x11];
	[sflag:s13] =	ssyncadd.s32 $0xFFFFC000  }
0xc4: {  	[tilespmem:s7], [sflag:$0x1] =	stream.linear.gather @!p0 [hbm4b:s23+s5], $0x100, $0x38;
	[tilespmem:$0x1E400] =	vst v63  }
0xc5: {  	s5 =	simm.s32 @!p0 $0x1  }
0xc6: {  	_ =	swait.ge @!p0 [sflag:s5], $0x100  }
0xc7: {  	[sflag:s5] =	ssyncset.done @!p0 $0x0  }
0xc8: {  	s23 =	simm.s32 @!p0 $0x14400;
	[sflag:s5] =	ssyncadd.s32 @!p0 $0xFFFFFF00;
	s5 =	simm.s32 @!p0 $0x80  }
0xc9: {  	[tilespmem:s23], [sflag:$0x5] =	stream.indirect.gather @!p0 [hbm4b:s0+s5], $0x80, s7, s5, $0xb8;
	[tilespmem:$0x1E400] =	vst v63  }
0xca: {  	s7 =	simm.s32 @!p0 $0x5  }
0xcb: {  	_ =	swait.ge @!p0 [sflag:s7], $0x4000  }
0xcc: {  	[sflag:s7] =	ssyncset.done @!p0 $0x0  }
0xcd: {  	[sflag:s7] =	ssyncadd.s32 @!p0 $0xFFFFC000;
	s7 =	simm.s32 @!p0 $0x14080  }
0xce: {  	[spmem:s3] =	stream.indirect.scatter.add.f32 @!p0 [tilespmem:s23], [sflag:$0x7], $0x80, s7, s5, $0xb8;
	[tilespmem:$0x1E400] =	vst v63  }
0xcf: {  	s5 =	simm.s32 @!p0 $0x7  }
0xd0: {  	_ =	swait.ge @!p0 [sflag:s5], $0x4000  }
0xd1: {  	[sflag:s5] =	ssyncset.done @!p0 $0x0  }
0xd2: {  	s7 =	stileid.u32;
	[sflag:s5] =	ssyncadd.s32 @!p0 $0xFFFFC000  }
0xd3: {  	s5 =	sshll.u32 s7, $0x6;
	[bflag:$0x0] =	sbarrier.arrive $0xFFFF  }
0xd4: {  	s7 =	sshrl.u32 s6, $0x3;
	s5 =	sor.u32 $0x1C07, s5;
	s23 =	rddreg [dreg:$0xa]  }
0xd5: {  	[hbm:s23], [sflag:s5] =	dma.local [spmem:s7], $0x800  }
0xd6: {  	_ =	swait.ge [sflag:s13], $0x800  }
0xd7: {  	[sflag:s13] =	ssyncset.done $0x0  }
0xd8: {  	s7 =	sshrl.u32 s9, $0x3;
	s23 =	rddreg [dreg:$0xb];
	[sflag:s13] =	ssyncadd.s32 $0xFFFFF800  }
0xd9: {  	[hbm:s23], [sflag:s5] =	dma.local [spmem:s7], $0x800  }
0xda: {  	_ =	swait.ge [sflag:s13], $0x800  }
0xdb: {  	[sflag:s13] =	ssyncset.done $0x0  }
0xdc: {  	s7 =	sshrl.u32 s11, $0x3;
	s23 =	rddreg [dreg:$0xc];
	[sflag:s13] =	ssyncadd.s32 $0xFFFFF800  }
0xdd: {  	[hbm:s23], [sflag:s5] =	dma.local [spmem:s7], $0x800  }
0xde: {  	_ =	swait.ge [sflag:s13], $0x800  }
0xdf: {  	[sflag:s13] =	ssyncset.done $0x0  }
0xe0: {  	s7 =	sshrl.u32 s18, $0x3;
	s23 =	rddreg [dreg:$0xd];
	[sflag:s13] =	ssyncadd.s32 $0xFFFFF800  }
0xe1: {  	[hbm:s23], [sflag:s5] =	dma.local [spmem:s7], $0x800  }
0xe2: {  	_ =	swait.ge [sflag:s13], $0x800  }
0xe3: {  	[sflag:s13] =	ssyncset.done $0x0  }
0xe4: {  	s7 =	sshrl.u32 s20, $0x3;
	s23 =	rddreg [dreg:$0xe];
	[sflag:s13] =	ssyncadd.s32 $0xFFFFF800  }
0xe5: {  	[hbm:s23], [sflag:s5] =	dma.local [spmem:s7], $0x800  }
0xe6: {  	_ =	swait.ge [sflag:s13], $0x800  }
0xe7: {  	s22 =	sadd.s32 $0x1, s22;
	s23 =	rddreg [dreg:$0x12]  }
0xe8: {  	p1 =	sne.s32 s22, s23  }
.Ltmp2:
0xe9: {  	_ = 	snop;
	(pc) =	sbr.rel @p1 .LBB2_1-.Ltmp2, $3  }
0xea: {  	_ =	sdelay $0x1  }
0xeb: {  	[sflag:s13] =	ssyncset.done $0x0  }
0xec: {  	[sflag:s13] =	ssyncadd.s32 $0xFFFFF800  }
0xed: {  	_ =	sfence.sel $0x180000  }
0xee: {  	[bflag:$0x0] =	sbarrier.arrive $0xFFFF  }
0xef: {  	_ =	strace $0x9000004A  }
0xf0: {  	s0 =	stileid.u32;
	[bflag:$0x2] =	sbarrier.arrive $0xFFFF  }
0xf1: {  	p0 =	sne.s32 s0, $0x0;
	s0 =	rddreg [dreg:$0x4]  }
0xf2: {  	s0 =	sadd.s32 @!p0 $0x100000, s0  }
0xf3: {  	[sflag:s0] =	ssyncadd.tile.s32 @!p0 $0x1;
	_ =	shalt  }
.Lfunc_end2:
_tile_overlayer_lowered:
.L_overlay_start_2:
0xf4: {  	(tag) =	ssettag $0x2  }
0xf5: {  	s0 =	rddreg [dreg:$0x0];
	s2 =	stileid.u32  }
0xf6: {  	s1 =	rddreg [dreg:$0x1];
	p0 =	sne.s32 s2, $0x0  }
0xf7: {  	s3 =	rddreg [dreg:$0x2];
	[bflag:$0x3] =	sbarrier.arrive $0xFFFF;
	s2 =	simm.s32 @!p0 $0x1C07  }
0xf8: {  	[timem:s3], [sflag:s2] =	dma.local @!p0 [hbm:s0], s1  }
0xf9: {  	s0 =	simm.s32 @!p0 $0x7  }
0xfa: {  	_ =	swait.ge @!p0 [sflag:s0], s1  }
0xfb: {  	s1 =	ssub.s32 @!p0 $0x0, s1;
	[sflag:s0] =	ssyncset.done @!p0 $0x0  }
0xfc: {  	[sflag:s0] =	ssyncadd.s32 @!p0 s1  }
0xfd: {  	[bflag:$0x3] =	sbarrier.arrive $0xFFFF  }
0xfe: {  	_ =	shalt  }

</sc_bundles>
